<compile_context>
chip_gen: v7x
topology: tpu7x:2x2x1
jax: 0.10.2.dev20260603
libtpu: 0.0.44.dev20260713+nightly
codegen_flags: <defaults>
</compile_context>

<pallas_src>
import functools

import jax
import jax.numpy as jnp
from jax import lax
from jax.experimental import pallas as pl
from jax.experimental.pallas import tpu as pltpu
from jax.experimental.pallas import tpu_sc as plsc

N = 10000
D = 128
DP = 144
NROWS = 10112
NW = 32
CHUNK = 32
N_INC = 320000
NBUF = 4
CHUNKS = (N_INC + NW * CHUNK - 1) // (NW * CHUNK)
NP = NW * CHUNKS * CHUNK
RPT = NROWS // 16


_mesh = plsc.VectorSubcoreMesh(core_axis_name="c", subcore_axis_name="s")


@functools.partial(
    pl.kernel,
    out_type=jax.ShapeDtypeStruct((2, NROWS, DP), jnp.float32),
    mesh=_mesh,
    scratch_types=[
        pltpu.VMEM_SHARED((NROWS, DP), jnp.float32),
        pltpu.VMEM((CHUNKS, CHUNK), jnp.int32),
        pltpu.VMEM((CHUNKS, CHUNK), jnp.int32),
        pltpu.VMEM((NBUF, CHUNK, DP), jnp.float32),
        pltpu.SemaphoreType.DMA((NBUF,)),
    ],
    compiler_params=pltpu.CompilerParams(use_tc_tiling_on_sc=False),
)
def _sc_pass(gidx, sidx, table, zeros, out, acc, gslab, sslab, bufs, gsems):
    cid = lax.axis_index("c")
    sid = lax.axis_index("s")
    wid = sid * 2 + cid
    pltpu.sync_copy(zeros.at[pl.ds(sid * RPT, RPT)],
                    acc.at[pl.ds(sid * RPT, RPT)])
    pltpu.sync_copy(gidx.at[wid], gslab)
    pltpu.sync_copy(sidx.at[wid], sslab)
    plsc.subcore_barrier()

    for k in range(NBUF - 1):
        pltpu.async_copy(table.at[gslab.at[k]], bufs.at[k], gsems.at[k])

    def body(i, carry):
        b = lax.rem(i, NBUF)
        nxt = lax.rem(i + NBUF - 1, NBUF)
        pltpu.make_async_copy(
            table.at[gslab.at[i]], bufs.at[b], gsems.at[b]).wait()

        @pl.when(i + NBUF - 1 < CHUNKS)
        def _():
            pltpu.async_copy(table.at[gslab.at[i + NBUF - 1]],
                             bufs.at[nxt], gsems.at[nxt])

        pltpu.sync_copy(bufs.at[b], acc.at[sslab.at[i]], add=True)
        return carry

    lax.fori_loop(0, CHUNKS, body, 0)
    plsc.subcore_barrier()
    pltpu.sync_copy(acc.at[pl.ds(sid * RPT, RPT)],
                    out.at[cid, pl.ds(sid * RPT, RPT)])


def _ones_col(rows):
    col = lax.broadcasted_iota(jnp.int32, (rows, DP - D), 1)
    return jnp.where(col == 0, 1.0, 0.0).astype(jnp.float32)


def _tc_in_body(x_ref, w_ref, o_ref):
    xw = jnp.dot(x_ref[...], w_ref[...], preferred_element_type=jnp.float32)
    top = jnp.concatenate([xw, _ones_col(N)], axis=1)
    o_ref[...] = jnp.concatenate(
        [top, jnp.zeros((NROWS - N, DP), jnp.float32)], axis=0)


def _tc_scale_body(p_ref, o_ref):
    s = p_ref[0] + p_ref[1]
    c = s[:, D:D + 1]
    binv = jnp.where(c > 0, 1.0 / c, 0.0)
    o_ref[...] = s * binv


def _tc_mid_body(p_ref, b_ref, w_ref, o_ref):
    s = p_ref[0] + p_ref[1]
    c = s[:, D:D + 1]
    dinv = jnp.where(c > 0, 1.0 / c, 0.0)
    h = jnp.maximum(s[:, :D] * dinv + b_ref[...], 0.0)
    hw = jnp.dot(h, w_ref[...], preferred_element_type=jnp.float32)
    o_ref[...] = jnp.concatenate([hw, _ones_col(NROWS)], axis=1)


def _tc_out_body(p_ref, b_ref, o_ref):
    s = p_ref[0] + p_ref[1]
    c = s[:, D:D + 1]
    dinv = jnp.where(c > 0, 1.0 / c, 0.0)
    o_ref[...] = s[:N, :D] * dinv[:N] + b_ref[...]


_tc_in = pl.pallas_call(
    _tc_in_body, out_shape=jax.ShapeDtypeStruct((NROWS, DP), jnp.float32))
_tc_scale = pl.pallas_call(
    _tc_scale_body, out_shape=jax.ShapeDtypeStruct((NROWS, DP), jnp.float32))
_tc_mid = pl.pallas_call(
    _tc_mid_body, out_shape=jax.ShapeDtypeStruct((NROWS, DP), jnp.float32))
_tc_out = pl.pallas_call(
    _tc_out_body, out_shape=jax.ShapeDtypeStruct((N, D), jnp.float32))


def kernel(x, hyperedge_index, W1, b1, W2, b2):
    src = hyperedge_index[0]
    dst = hyperedge_index[1]
    pad = jnp.full((NP - N_INC,), N, dtype=jnp.int32)
    srcp = jnp.concatenate([src, pad]).reshape(NW, CHUNKS, CHUNK)
    dstp = jnp.concatenate([dst, pad]).reshape(NW, CHUNKS, CHUNK)
    zeros = jnp.zeros((NROWS, DP), jnp.float32)

    xw1 = _tc_in(x, W1)
    macc1 = _sc_pass(srcp, dstp, xw1, zeros)
    m1 = _tc_scale(macc1)
    oacc1 = _sc_pass(dstp, srcp, m1, zeros)
    h2 = _tc_mid(oacc1, b1, W2)
    macc2 = _sc_pass(srcp, dstp, h2, zeros)
    m2 = _tc_scale(macc2)
    oacc2 = _sc_pass(dstp, srcp, m2, zeros)
    return _tc_out(oacc2, b2)

# --- scband reference (transcript-rebuilt; emitter-appended) ---
"""Pipeline reference for scband-hypergraph-net-50895362458091 (READ-ONLY COPY).

The authoritative reference and input builder live on the scoring server;
editing this copy changes nothing except your own understanding.
"""

import jax, jax.numpy as jnp
import numpy as np

N_NODES = 10000
N_INC = 320000
D_IN = 128
D_HID = 128
D_OUT = 128


def _hconv(x, src, dst, W, b, num_edges):
    # Faithful port of PyG HypergraphConv (use_attention=False, heads=1):
    #   x' = x @ W
    #   D[i] = sum_{e: i in e} w_e  (w_e = 1), Dinv = 1/D (0 where deg 0)
    #   B[e] = |e|, Binv = 1/B (0 where empty)
    #   m_e = sum_{i in e} Binv[e] * x'_i          (node -> hyperedge)
    #   out_i = sum_{e: i in e} Dinv[i] * m_e      (hyperedge -> node)
    #   out = out + bias
    n = x.shape[0]
    xw = x @ W
    w = jnp.ones((num_edges,), jnp.float32)
    Dn = jax.ops.segment_sum(w[dst], src, num_segments=n)
    Dinv = jnp.where(Dn > 0, 1.0 / jnp.where(Dn > 0, Dn, 1.0), 0.0)
    Bd = jax.ops.segment_sum(jnp.ones((dst.shape[0],), jnp.float32), dst, num_segments=num_edges)
    Binv = jnp.where(Bd > 0, 1.0 / jnp.where(Bd > 0, Bd, 1.0), 0.0)
    m = jax.ops.segment_sum(Binv[dst][:, None] * xw[src], dst, num_segments=num_edges)
    out = jax.ops.segment_sum(Dinv[src][:, None] * m[dst], src, num_segments=n)
    return out + b


def setup_inputs(seed: int = 0) -> dict:
    key = jax.random.key(seed)
    k1, k2, k3, k4, k5, k6 = jax.random.split(key, 6)
    x = jax.random.normal(k1, (N_NODES, D_IN), dtype=jnp.float32)
    hyperedge_index = jax.random.randint(k2, (2, N_INC), 0, N_NODES, dtype=jnp.int32)
    s1 = 1.0 / np.sqrt(D_IN)
    s2 = 1.0 / np.sqrt(D_HID)
    W1 = jax.random.uniform(k3, (D_IN, D_HID), jnp.float32, -s1, s1)
    b1 = jax.random.uniform(k4, (D_HID,), jnp.float32, -s1, s1)
    W2 = jax.random.uniform(k5, (D_HID, D_OUT), jnp.float32, -s2, s2)
    b2 = jax.random.uniform(k6, (D_OUT,), jnp.float32, -s2, s2)
    return {"x": x, "hyperedge_index": hyperedge_index, "W1": W1, "b1": b1, "W2": W2, "b2": b2}


def reference(x, hyperedge_index, W1, b1, W2, b2):
    src = hyperedge_index[0]
    dst = hyperedge_index[1]
    num_edges = x.shape[0]
    h = jax.nn.relu(_hconv(x, src, dst, W1, b1, num_edges))
    out = _hconv(h, src, dst, W2, b2, num_edges)
    return out

if __name__ == "__main__":
    import jax
    _d = setup_inputs()
    print(jax.jit(kernel)(*tuple(_d.values())))

</pallas_src>

<mosaic_0001>
#map = affine_map<(d0, d1) -> (0, 0, 0)>
#map1 = affine_map<(d0, d1) -> (0, 0)>
module attributes {stable_mosaic.version = 14 : i64} {
  func.func @_sc_pass(%arg0: i32, %arg1: i32, %arg2: memref<32x313x32xi32, #tpu.memory_space<hbm>>, %arg3: memref<32x313x32xi32, #tpu.memory_space<hbm>>, %arg4: memref<10112x144xf32, #tpu.memory_space<hbm>>, %arg5: memref<10112x144xf32, #tpu.memory_space<hbm>>, %arg6: memref<2x10112x144xf32, #tpu.memory_space<hbm>>, %arg7: memref<10112x144xf32, #tpu.memory_space<vmem_shared>>, %arg8: memref<313x32xi32, #tpu.memory_space<vmem>>, %arg9: memref<313x32xi32, #tpu.memory_space<vmem>>, %arg10: memref<4x32x144xf32, #tpu.memory_space<vmem>>, %arg11: memref<4x!tpu.dma_semaphore, #tpu.memory_space<semaphore_mem>>) attributes {dimension_semantics = [#tpu.dimension_semantics<core_parallel>, #tpu.dimension_semantics<subcore_parallel>], iteration_bounds = array<i64: 2, 16>, scalar_prefetch = 0 : i64, scratch_operands = 5 : i64, tpu.core_type = #tpu.core_type<sc_vector_subcore>, window_params = [{transform_indices = #map}, {transform_indices = #map}, {transform_indices = #map1}, {transform_indices = #map1}, {transform_indices = #map}]} {
    %mul3A = arith.constant 2 : i32
    %mul3A_0 = arith.muli %arg1, %mul3A : i32
    %add3A = arith.addi %mul3A_0, %arg0 : i32
    %mul3A_1 = arith.constant 632 : i32
    %mul3A_2 = arith.muli %arg1, %mul3A_1 : i32
    %mul3A_3 = arith.constant 632 : i32
    %mul3A_4 = arith.muli %arg1, %mul3A_3 : i32
    "tpu.region"() ({
      %run_scoped3A = tpu.sem_alloc : memref<!tpu.dma_semaphore, #tpu.memory_space<semaphore_mem>>
      %dma_start3A_59 = arith.constant 0 : i32
      %dma_start3A_60 = tpu.memref_slice %arg7[%mul3A_4, %dma_start3A_59] : memref<10112x144xf32, #tpu.memory_space<vmem_shared>> -> memref<632x144xf32, #tpu.memory_space<vmem_shared>>
      %dma_start3A_61 = arith.constant 0 : i32
      %dma_start3A_62 = tpu.memref_slice %arg5[%mul3A_2, %dma_start3A_61] : memref<10112x144xf32, #tpu.memory_space<hbm>> -> memref<632x144xf32, #tpu.memory_space<hbm>>
      tpu.enqueue_dma source(%dma_start3A_62 : memref<632x144xf32, #tpu.memory_space<hbm>>) target(%dma_start3A_60 : memref<632x144xf32, #tpu.memory_space<vmem_shared>>) target_semaphore(%run_scoped3A : memref<!tpu.dma_semaphore, #tpu.memory_space<semaphore_mem>>)
      %dma_wait3A = arith.constant 0 : i32
      %dma_wait3A_63 = tpu.memref_slice %arg7[%mul3A_4, %dma_wait3A] : memref<10112x144xf32, #tpu.memory_space<vmem_shared>> -> memref<632x144xf32, #tpu.memory_space<vmem_shared>>
      %dma_wait3A_64 = arith.constant 0 : i32
      %dma_wait3A_65 = tpu.memref_slice %arg5[%mul3A_2, %dma_wait3A_64] : memref<10112x144xf32, #tpu.memory_space<hbm>> -> memref<632x144xf32, #tpu.memory_space<hbm>>
      tpu.wait_dma2 semaphore(%run_scoped3A : memref<!tpu.dma_semaphore, #tpu.memory_space<semaphore_mem>>) src(%dma_wait3A_65 : memref<632x144xf32, #tpu.memory_space<hbm>>) dst(%dma_wait3A_63 : memref<632x144xf32, #tpu.memory_space<vmem_shared>>)
      tpu.yield
    }) : () -> ()
    "tpu.region"() ({
      %run_scoped3A = tpu.sem_alloc : memref<!tpu.dma_semaphore, #tpu.memory_space<semaphore_mem>>
      %dma_start3A_59 = arith.constant 0 : i32
      %dma_start3A_60 = arith.constant 0 : i32
      %dma_start3A_61 = tpu.memref_slice %arg2[%add3A, %dma_start3A_59, %dma_start3A_60] : memref<32x313x32xi32, #tpu.memory_space<hbm>> -> memref<1x313x32xi32, #tpu.memory_space<hbm>>
      %dma_start3A_62 = tpu.memref_squeeze %dma_start3A_61 : memref<1x313x32xi32, #tpu.memory_space<hbm>> -> memref<313x32xi32, #tpu.memory_space<hbm>>
      %dma_start3A_63 = arith.constant 0 : i32
      %dma_start3A_64 = arith.constant 0 : i32
      %dma_start3A_65 = tpu.memref_slice %arg2[%add3A, %dma_start3A_63, %dma_start3A_64] : memref<32x313x32xi32, #tpu.memory_space<hbm>> -> memref<1x313x32xi32, #tpu.memory_space<hbm>>
      %dma_start3A_66 = tpu.memref_squeeze %dma_start3A_65 : memref<1x313x32xi32, #tpu.memory_space<hbm>> -> memref<313x32xi32, #tpu.memory_space<hbm>>
      tpu.enqueue_dma source(%dma_start3A_66 : memref<313x32xi32, #tpu.memory_space<hbm>>) target(%arg8 : memref<313x32xi32, #tpu.memory_space<vmem>>) target_semaphore(%run_scoped3A : memref<!tpu.dma_semaphore, #tpu.memory_space<semaphore_mem>>)
      %dma_wait3A = arith.constant 0 : i32
      %dma_wait3A_67 = arith.constant 0 : i32
      %dma_wait3A_68 = tpu.memref_slice %arg2[%add3A, %dma_wait3A, %dma_wait3A_67] : memref<32x313x32xi32, #tpu.memory_space<hbm>> -> memref<1x313x32xi32, #tpu.memory_space<hbm>>
      %dma_wait3A_69 = tpu.memref_squeeze %dma_wait3A_68 : memref<1x313x32xi32, #tpu.memory_space<hbm>> -> memref<313x32xi32, #tpu.memory_space<hbm>>
      %dma_wait3A_70 = arith.constant 0 : i32
      %dma_wait3A_71 = arith.constant 0 : i32
      %dma_wait3A_72 = tpu.memref_slice %arg2[%add3A, %dma_wait3A_70, %dma_wait3A_71] : memref<32x313x32xi32, #tpu.memory_space<hbm>> -> memref<1x313x32xi32, #tpu.memory_space<hbm>>
      %dma_wait3A_73 = tpu.memref_squeeze %dma_wait3A_72 : memref<1x313x32xi32, #tpu.memory_space<hbm>> -> memref<313x32xi32, #tpu.memory_space<hbm>>
      tpu.wait_dma2 semaphore(%run_scoped3A : memref<!tpu.dma_semaphore, #tpu.memory_space<semaphore_mem>>) src(%dma_wait3A_73 : memref<313x32xi32, #tpu.memory_space<hbm>>) dst(%arg8 : memref<313x32xi32, #tpu.memory_space<vmem>>)
      tpu.yield
    }) : () -> ()
    "tpu.region"() ({
      %run_scoped3A = tpu.sem_alloc : memref<!tpu.dma_semaphore, #tpu.memory_space<semaphore_mem>>
      %dma_start3A_59 = arith.constant 0 : i32
      %dma_start3A_60 = arith.constant 0 : i32
      %dma_start3A_61 = tpu.memref_slice %arg3[%add3A, %dma_start3A_59, %dma_start3A_60] : memref<32x313x32xi32, #tpu.memory_space<hbm>> -> memref<1x313x32xi32, #tpu.memory_space<hbm>>
      %dma_start3A_62 = tpu.memref_squeeze %dma_start3A_61 : memref<1x313x32xi32, #tpu.memory_space<hbm>> -> memref<313x32xi32, #tpu.memory_space<hbm>>
      %dma_start3A_63 = arith.constant 0 : i32
      %dma_start3A_64 = arith.constant 0 : i32
      %dma_start3A_65 = tpu.memref_slice %arg3[%add3A, %dma_start3A_63, %dma_start3A_64] : memref<32x313x32xi32, #tpu.memory_space<hbm>> -> memref<1x313x32xi32, #tpu.memory_space<hbm>>
      %dma_start3A_66 = tpu.memref_squeeze %dma_start3A_65 : memref<1x313x32xi32, #tpu.memory_space<hbm>> -> memref<313x32xi32, #tpu.memory_space<hbm>>
      tpu.enqueue_dma source(%dma_start3A_66 : memref<313x32xi32, #tpu.memory_space<hbm>>) target(%arg9 : memref<313x32xi32, #tpu.memory_space<vmem>>) target_semaphore(%run_scoped3A : memref<!tpu.dma_semaphore, #tpu.memory_space<semaphore_mem>>)
      %dma_wait3A = arith.constant 0 : i32
      %dma_wait3A_67 = arith.constant 0 : i32
      %dma_wait3A_68 = tpu.memref_slice %arg3[%add3A, %dma_wait3A, %dma_wait3A_67] : memref<32x313x32xi32, #tpu.memory_space<hbm>> -> memref<1x313x32xi32, #tpu.memory_space<hbm>>
      %dma_wait3A_69 = tpu.memref_squeeze %dma_wait3A_68 : memref<1x313x32xi32, #tpu.memory_space<hbm>> -> memref<313x32xi32, #tpu.memory_space<hbm>>
      %dma_wait3A_70 = arith.constant 0 : i32
      %dma_wait3A_71 = arith.constant 0 : i32
      %dma_wait3A_72 = tpu.memref_slice %arg3[%add3A, %dma_wait3A_70, %dma_wait3A_71] : memref<32x313x32xi32, #tpu.memory_space<hbm>> -> memref<1x313x32xi32, #tpu.memory_space<hbm>>
      %dma_wait3A_73 = tpu.memref_squeeze %dma_wait3A_72 : memref<1x313x32xi32, #tpu.memory_space<hbm>> -> memref<313x32xi32, #tpu.memory_space<hbm>>
      tpu.wait_dma2 semaphore(%run_scoped3A : memref<!tpu.dma_semaphore, #tpu.memory_space<semaphore_mem>>) src(%dma_wait3A_73 : memref<313x32xi32, #tpu.memory_space<hbm>>) dst(%arg9 : memref<313x32xi32, #tpu.memory_space<vmem>>)
      tpu.yield
    }) : () -> ()
    %barrier3A = arith.constant 0 : index
    tpu.barrier barrier_id(%barrier3A)
    %dma_start3A = arith.constant 0 : i32
    %dma_start3A_5 = arith.constant 0 : i32
    %dma_start3A_6 = arith.constant 0 : i32
    %dma_start3A_7 = arith.constant 0 : i32
    %dma_start3A_8 = arith.constant 0 : i32
    %dma_start3A_9 = tpu.memref_slice %arg10[%dma_start3A_5, %dma_start3A_7, %dma_start3A_8] : memref<4x32x144xf32, #tpu.memory_space<vmem>> -> memref<1x32x144xf32, #tpu.memory_space<vmem>>
    %dma_start3A_10 = tpu.memref_squeeze %dma_start3A_9 : memref<1x32x144xf32, #tpu.memory_space<vmem>> -> memref<32x144xf32, #tpu.memory_space<vmem>>
    %dma_start3A_11 = arith.constant 0 : i32
    %dma_start3A_12 = tpu.memref_slice %arg8[%dma_start3A, %dma_start3A_11] : memref<313x32xi32, #tpu.memory_space<vmem>> -> memref<1x32xi32, #tpu.memory_space<vmem>>
    %dma_start3A_13 = tpu.memref_squeeze %dma_start3A_12 : memref<1x32xi32, #tpu.memory_space<vmem>> -> memref<32xi32, #tpu.memory_space<vmem>>
    %dma_start3A_14 = arith.constant 0 : i32
    %dma_start3A_15 = arith.constant 0 : i32
    %dma_start3A_16 = tpu.memref_slice %arg4[%dma_start3A_14, %dma_start3A_15] : memref<10112x144xf32, #tpu.memory_space<hbm>> -> memref<10112x144xf32, #tpu.memory_space<hbm>>
    %dma_start3A_17 = tpu.memref_slice %arg11[%dma_start3A_6] : memref<4x!tpu.dma_semaphore, #tpu.memory_space<semaphore_mem>> -> memref<1x!tpu.dma_semaphore, #tpu.memory_space<semaphore_mem>>
    %dma_start3A_18 = tpu.memref_squeeze %dma_start3A_17 : memref<1x!tpu.dma_semaphore, #tpu.memory_space<semaphore_mem>> -> memref<!tpu.dma_semaphore, #tpu.memory_space<semaphore_mem>>
    tpu.enqueue_indirect_dma source(%dma_start3A_16 : memref<10112x144xf32, #tpu.memory_space<hbm>>) target(%dma_start3A_10 : memref<32x144xf32, #tpu.memory_space<vmem>>) offsets(%dma_start3A_13 : memref<32xi32, #tpu.memory_space<vmem>>) semaphore(%dma_start3A_18 : memref<!tpu.dma_semaphore, #tpu.memory_space<semaphore_mem>>)
    %dma_start3A_19 = arith.constant 1 : i32
    %dma_start3A_20 = arith.constant 1 : i32
    %dma_start3A_21 = arith.constant 1 : i32
    %dma_start3A_22 = arith.constant 0 : i32
    %dma_start3A_23 = arith.constant 0 : i32
    %dma_start3A_24 = tpu.memref_slice %arg10[%dma_start3A_20, %dma_start3A_22, %dma_start3A_23] : memref<4x32x144xf32, #tpu.memory_space<vmem>> -> memref<1x32x144xf32, #tpu.memory_space<vmem>>
    %dma_start3A_25 = tpu.memref_squeeze %dma_start3A_24 : memref<1x32x144xf32, #tpu.memory_space<vmem>> -> memref<32x144xf32, #tpu.memory_space<vmem>>
    %dma_start3A_26 = arith.constant 0 : i32
    %dma_start3A_27 = tpu.memref_slice %arg8[%dma_start3A_19, %dma_start3A_26] : memref<313x32xi32, #tpu.memory_space<vmem>> -> memref<1x32xi32, #tpu.memory_space<vmem>>
    %dma_start3A_28 = tpu.memref_squeeze %dma_start3A_27 : memref<1x32xi32, #tpu.memory_space<vmem>> -> memref<32xi32, #tpu.memory_space<vmem>>
    %dma_start3A_29 = arith.constant 0 : i32
    %dma_start3A_30 = arith.constant 0 : i32
    %dma_start3A_31 = tpu.memref_slice %arg4[%dma_start3A_29, %dma_start3A_30] : memref<10112x144xf32, #tpu.memory_space<hbm>> -> memref<10112x144xf32, #tpu.memory_space<hbm>>
    %dma_start3A_32 = tpu.memref_slice %arg11[%dma_start3A_21] : memref<4x!tpu.dma_semaphore, #tpu.memory_space<semaphore_mem>> -> memref<1x!tpu.dma_semaphore, #tpu.memory_space<semaphore_mem>>
    %dma_start3A_33 = tpu.memref_squeeze %dma_start3A_32 : memref<1x!tpu.dma_semaphore, #tpu.memory_space<semaphore_mem>> -> memref<!tpu.dma_semaphore, #tpu.memory_space<semaphore_mem>>
    tpu.enqueue_indirect_dma source(%dma_start3A_31 : memref<10112x144xf32, #tpu.memory_space<hbm>>) target(%dma_start3A_25 : memref<32x144xf32, #tpu.memory_space<vmem>>) offsets(%dma_start3A_28 : memref<32xi32, #tpu.memory_space<vmem>>) semaphore(%dma_start3A_33 : memref<!tpu.dma_semaphore, #tpu.memory_space<semaphore_mem>>)
    %dma_start3A_34 = arith.constant 2 : i32
    %dma_start3A_35 = arith.constant 2 : i32
    %dma_start3A_36 = arith.constant 2 : i32
    %dma_start3A_37 = arith.constant 0 : i32
    %dma_start3A_38 = arith.constant 0 : i32
    %dma_start3A_39 = tpu.memref_slice %arg10[%dma_start3A_35, %dma_start3A_37, %dma_start3A_38] : memref<4x32x144xf32, #tpu.memory_space<vmem>> -> memref<1x32x144xf32, #tpu.memory_space<vmem>>
    %dma_start3A_40 = tpu.memref_squeeze %dma_start3A_39 : memref<1x32x144xf32, #tpu.memory_space<vmem>> -> memref<32x144xf32, #tpu.memory_space<vmem>>
    %dma_start3A_41 = arith.constant 0 : i32
    %dma_start3A_42 = tpu.memref_slice %arg8[%dma_start3A_34, %dma_start3A_41] : memref<313x32xi32, #tpu.memory_space<vmem>> -> memref<1x32xi32, #tpu.memory_space<vmem>>
    %dma_start3A_43 = tpu.memref_squeeze %dma_start3A_42 : memref<1x32xi32, #tpu.memory_space<vmem>> -> memref<32xi32, #tpu.memory_space<vmem>>
    %dma_start3A_44 = arith.constant 0 : i32
    %dma_start3A_45 = arith.constant 0 : i32
    %dma_start3A_46 = tpu.memref_slice %arg4[%dma_start3A_44, %dma_start3A_45] : memref<10112x144xf32, #tpu.memory_space<hbm>> -> memref<10112x144xf32, #tpu.memory_space<hbm>>
    %dma_start3A_47 = tpu.memref_slice %arg11[%dma_start3A_36] : memref<4x!tpu.dma_semaphore, #tpu.memory_space<semaphore_mem>> -> memref<1x!tpu.dma_semaphore, #tpu.memory_space<semaphore_mem>>
    %dma_start3A_48 = tpu.memref_squeeze %dma_start3A_47 : memref<1x!tpu.dma_semaphore, #tpu.memory_space<semaphore_mem>> -> memref<!tpu.dma_semaphore, #tpu.memory_space<semaphore_mem>>
    tpu.enqueue_indirect_dma source(%dma_start3A_46 : memref<10112x144xf32, #tpu.memory_space<hbm>>) target(%dma_start3A_40 : memref<32x144xf32, #tpu.memory_space<vmem>>) offsets(%dma_start3A_43 : memref<32xi32, #tpu.memory_space<vmem>>) semaphore(%dma_start3A_48 : memref<!tpu.dma_semaphore, #tpu.memory_space<semaphore_mem>>)
    %scan3A = arith.constant 0 : i32
    %scan3A_49 = arith.constant 0 : i32
    %scan3A_50 = arith.constant 313 : i32
    %scan3A_51 = arith.addi %scan3A_49, %scan3A_50 : i32
    %scan3A_52 = arith.constant 1 : i32
    scf.for %scan3A_59 = %scan3A_49 to %scan3A_51 step %scan3A_52  : i32 {
      %rem3A = arith.constant 4 : i32
      %rem3A_60 = arith.remsi %scan3A_59, %rem3A : i32
      %add3A_61 = arith.constant 4 : i32
      %add3A_62 = arith.addi %scan3A_59, %add3A_61 : i32
      %sub3A = arith.constant 1 : i32
      %sub3A_63 = arith.subi %add3A_62, %sub3A : i32
      %rem3A_64 = arith.constant 4 : i32
      %rem3A_65 = arith.remsi %sub3A_63, %rem3A_64 : i32
      %dma_wait3A = arith.constant 0 : i32
      %dma_wait3A_66 = arith.constant 0 : i32
      %dma_wait3A_67 = tpu.memref_slice %arg10[%rem3A_60, %dma_wait3A, %dma_wait3A_66] : memref<4x32x144xf32, #tpu.memory_space<vmem>> -> memref<1x32x144xf32, #tpu.memory_space<vmem>>
      %dma_wait3A_68 = tpu.memref_squeeze %dma_wait3A_67 : memref<1x32x144xf32, #tpu.memory_space<vmem>> -> memref<32x144xf32, #tpu.memory_space<vmem>>
      %dma_wait3A_69 = arith.constant 0 : i32
      %dma_wait3A_70 = tpu.memref_slice %arg8[%scan3A_59, %dma_wait3A_69] : memref<313x32xi32, #tpu.memory_space<vmem>> -> memref<1x32xi32, #tpu.memory_space<vmem>>
      %dma_wait3A_71 = tpu.memref_squeeze %dma_wait3A_70 : memref<1x32xi32, #tpu.memory_space<vmem>> -> memref<32xi32, #tpu.memory_space<vmem>>
      %dma_wait3A_72 = arith.constant 0 : i32
      %dma_wait3A_73 = arith.constant 0 : i32
      %dma_wait3A_74 = tpu.memref_slice %arg4[%dma_wait3A_72, %dma_wait3A_73] : memref<10112x144xf32, #tpu.memory_space<hbm>> -> memref<10112x144xf32, #tpu.memory_space<hbm>>
      %dma_wait3A_75 = tpu.memref_slice %arg11[%rem3A_60] : memref<4x!tpu.dma_semaphore, #tpu.memory_space<semaphore_mem>> -> memref<1x!tpu.dma_semaphore, #tpu.memory_space<semaphore_mem>>
      %dma_wait3A_76 = tpu.memref_squeeze %dma_wait3A_75 : memref<1x!tpu.dma_semaphore, #tpu.memory_space<semaphore_mem>> -> memref<!tpu.dma_semaphore, #tpu.memory_space<semaphore_mem>>
      tpu.wait_indirect_dma semaphore(%dma_wait3A_76 : memref<!tpu.dma_semaphore, #tpu.memory_space<semaphore_mem>>) src(%dma_wait3A_74 : memref<10112x144xf32, #tpu.memory_space<hbm>>) dst(%dma_wait3A_68 : memref<32x144xf32, #tpu.memory_space<vmem>>)
      %add3A_77 = arith.constant 4 : i32
      %add3A_78 = arith.addi %scan3A_59, %add3A_77 : i32
      %sub3A_79 = arith.constant 1 : i32
      %sub3A_80 = arith.subi %add3A_78, %sub3A_79 : i32
      %lt3A = arith.constant 313 : i32
      %lt3A_81 = arith.cmpi slt, %sub3A_80, %lt3A : i32
      %convert_element_type3A = arith.extui %lt3A_81 : i1 to i32
      %cond3A = arith.constant 0 : i32
      %cond3A_82 = arith.cmpi ne, %convert_element_type3A, %cond3A : i32
      scf.if %cond3A_82 {
        %add3A_83 = arith.constant 4 : i32
        %add3A_84 = arith.addi %scan3A_59, %add3A_83 : i32
        %sub3A_85 = arith.constant 1 : i32
        %sub3A_86 = arith.subi %add3A_84, %sub3A_85 : i32
        %dma_start3A_87 = arith.constant 0 : i32
        %dma_start3A_88 = arith.constant 0 : i32
        %dma_start3A_89 = tpu.memref_slice %arg10[%rem3A_65, %dma_start3A_87, %dma_start3A_88] : memref<4x32x144xf32, #tpu.memory_space<vmem>> -> memref<1x32x144xf32, #tpu.memory_space<vmem>>
        %dma_start3A_90 = tpu.memref_squeeze %dma_start3A_89 : memref<1x32x144xf32, #tpu.memory_space<vmem>> -> memref<32x144xf32, #tpu.memory_space<vmem>>
        %dma_start3A_91 = arith.constant 0 : i32
        %dma_start3A_92 = tpu.memref_slice %arg8[%sub3A_86, %dma_start3A_91] : memref<313x32xi32, #tpu.memory_space<vmem>> -> memref<1x32xi32, #tpu.memory_space<vmem>>
        %dma_start3A_93 = tpu.memref_squeeze %dma_start3A_92 : memref<1x32xi32, #tpu.memory_space<vmem>> -> memref<32xi32, #tpu.memory_space<vmem>>
        %dma_start3A_94 = arith.constant 0 : i32
        %dma_start3A_95 = arith.constant 0 : i32
        %dma_start3A_96 = tpu.memref_slice %arg4[%dma_start3A_94, %dma_start3A_95] : memref<10112x144xf32, #tpu.memory_space<hbm>> -> memref<10112x144xf32, #tpu.memory_space<hbm>>
        %dma_start3A_97 = tpu.memref_slice %arg11[%rem3A_65] : memref<4x!tpu.dma_semaphore, #tpu.memory_space<semaphore_mem>> -> memref<1x!tpu.dma_semaphore, #tpu.memory_space<semaphore_mem>>
        %dma_start3A_98 = tpu.memref_squeeze %dma_start3A_97 : memref<1x!tpu.dma_semaphore, #tpu.memory_space<semaphore_mem>> -> memref<!tpu.dma_semaphore, #tpu.memory_space<semaphore_mem>>
        tpu.enqueue_indirect_dma source(%dma_start3A_96 : memref<10112x144xf32, #tpu.memory_space<hbm>>) target(%dma_start3A_90 : memref<32x144xf32, #tpu.memory_space<vmem>>) offsets(%dma_start3A_93 : memref<32xi32, #tpu.memory_space<vmem>>) semaphore(%dma_start3A_98 : memref<!tpu.dma_semaphore, #tpu.memory_space<semaphore_mem>>)
      } else {
      }
      "tpu.region"() ({
        %run_scoped3A = tpu.sem_alloc : memref<!tpu.dma_semaphore, #tpu.memory_space<semaphore_mem>>
        %dma_start3A_83 = arith.constant 0 : i32
        %dma_start3A_84 = arith.constant 0 : i32
        %dma_start3A_85 = tpu.memref_slice %arg10[%rem3A_60, %dma_start3A_83, %dma_start3A_84] : memref<4x32x144xf32, #tpu.memory_space<vmem>> -> memref<1x32x144xf32, #tpu.memory_space<vmem>>
        %dma_start3A_86 = tpu.memref_squeeze %dma_start3A_85 : memref<1x32x144xf32, #tpu.memory_space<vmem>> -> memref<32x144xf32, #tpu.memory_space<vmem>>
        %dma_start3A_87 = arith.constant 0 : i32
        %dma_start3A_88 = tpu.memref_slice %arg9[%scan3A_59, %dma_start3A_87] : memref<313x32xi32, #tpu.memory_space<vmem>> -> memref<1x32xi32, #tpu.memory_space<vmem>>
        %dma_start3A_89 = tpu.memref_squeeze %dma_start3A_88 : memref<1x32xi32, #tpu.memory_space<vmem>> -> memref<32xi32, #tpu.memory_space<vmem>>
        %dma_start3A_90 = arith.constant 0 : i32
        %dma_start3A_91 = arith.constant 0 : i32
        %dma_start3A_92 = tpu.memref_slice %arg7[%dma_start3A_90, %dma_start3A_91] : memref<10112x144xf32, #tpu.memory_space<vmem_shared>> -> memref<10112x144xf32, #tpu.memory_space<vmem_shared>>
        tpu.enqueue_indirect_dma source(%dma_start3A_86 : memref<32x144xf32, #tpu.memory_space<vmem>>) target(%dma_start3A_92 : memref<10112x144xf32, #tpu.memory_space<vmem_shared>>) offsets(%dma_start3A_89 : memref<32xi32, #tpu.memory_space<vmem>>) semaphore(%run_scoped3A : memref<!tpu.dma_semaphore, #tpu.memory_space<semaphore_mem>>) {add = true}
        %dma_wait3A_93 = arith.constant 0 : i32
        %dma_wait3A_94 = arith.constant 0 : i32
        %dma_wait3A_95 = tpu.memref_slice %arg10[%rem3A_60, %dma_wait3A_93, %dma_wait3A_94] : memref<4x32x144xf32, #tpu.memory_space<vmem>> -> memref<1x32x144xf32, #tpu.memory_space<vmem>>
        %dma_wait3A_96 = tpu.memref_squeeze %dma_wait3A_95 : memref<1x32x144xf32, #tpu.memory_space<vmem>> -> memref<32x144xf32, #tpu.memory_space<vmem>>
        %dma_wait3A_97 = arith.constant 0 : i32
        %dma_wait3A_98 = tpu.memref_slice %arg9[%scan3A_59, %dma_wait3A_97] : memref<313x32xi32, #tpu.memory_space<vmem>> -> memref<1x32xi32, #tpu.memory_space<vmem>>
        %dma_wait3A_99 = tpu.memref_squeeze %dma_wait3A_98 : memref<1x32xi32, #tpu.memory_space<vmem>> -> memref<32xi32, #tpu.memory_space<vmem>>
        %dma_wait3A_100 = arith.constant 0 : i32
        %dma_wait3A_101 = arith.constant 0 : i32
        %dma_wait3A_102 = tpu.memref_slice %arg7[%dma_wait3A_100, %dma_wait3A_101] : memref<10112x144xf32, #tpu.memory_space<vmem_shared>> -> memref<10112x144xf32, #tpu.memory_space<vmem_shared>>
        tpu.wait_indirect_dma semaphore(%run_scoped3A : memref<!tpu.dma_semaphore, #tpu.memory_space<semaphore_mem>>) src(%dma_wait3A_96 : memref<32x144xf32, #tpu.memory_space<vmem>>) dst(%dma_wait3A_102 : memref<10112x144xf32, #tpu.memory_space<vmem_shared>>)
        tpu.yield
      }) : () -> ()
    }
    %scan3A_53 = arith.constant 313 : i32
    %barrier3A_54 = arith.constant 0 : index
    tpu.barrier barrier_id(%barrier3A_54)
    %mul3A_55 = arith.constant 632 : i32
    %mul3A_56 = arith.muli %arg1, %mul3A_55 : i32
    %mul3A_57 = arith.constant 632 : i32
    %mul3A_58 = arith.muli %arg1, %mul3A_57 : i32
    "tpu.region"() ({
      %run_scoped3A = tpu.sem_alloc : memref<!tpu.dma_semaphore, #tpu.memory_space<semaphore_mem>>
      %dma_start3A_59 = arith.constant 0 : i32
      %dma_start3A_60 = tpu.memref_slice %arg6[%arg0, %mul3A_58, %dma_start3A_59] : memref<2x10112x144xf32, #tpu.memory_space<hbm>> -> memref<1x632x144xf32, #tpu.memory_space<hbm>>
      %dma_start3A_61 = tpu.memref_squeeze %dma_start3A_60 : memref<1x632x144xf32, #tpu.memory_space<hbm>> -> memref<632x144xf32, #tpu.memory_space<hbm>>
      %dma_start3A_62 = arith.constant 0 : i32
      %dma_start3A_63 = tpu.memref_slice %arg7[%mul3A_56, %dma_start3A_62] : memref<10112x144xf32, #tpu.memory_space<vmem_shared>> -> memref<632x144xf32, #tpu.memory_space<vmem_shared>>
      tpu.enqueue_dma source(%dma_start3A_63 : memref<632x144xf32, #tpu.memory_space<vmem_shared>>) target(%dma_start3A_61 : memref<632x144xf32, #tpu.memory_space<hbm>>) target_semaphore(%run_scoped3A : memref<!tpu.dma_semaphore, #tpu.memory_space<semaphore_mem>>)
      %dma_wait3A = arith.constant 0 : i32
      %dma_wait3A_64 = tpu.memref_slice %arg6[%arg0, %mul3A_58, %dma_wait3A] : memref<2x10112x144xf32, #tpu.memory_space<hbm>> -> memref<1x632x144xf32, #tpu.memory_space<hbm>>
      %dma_wait3A_65 = tpu.memref_squeeze %dma_wait3A_64 : memref<1x632x144xf32, #tpu.memory_space<hbm>> -> memref<632x144xf32, #tpu.memory_space<hbm>>
      %dma_wait3A_66 = arith.constant 0 : i32
      %dma_wait3A_67 = tpu.memref_slice %arg7[%mul3A_56, %dma_wait3A_66] : memref<10112x144xf32, #tpu.memory_space<vmem_shared>> -> memref<632x144xf32, #tpu.memory_space<vmem_shared>>
      tpu.wait_dma2 semaphore(%run_scoped3A : memref<!tpu.dma_semaphore, #tpu.memory_space<semaphore_mem>>) src(%dma_wait3A_67 : memref<632x144xf32, #tpu.memory_space<vmem_shared>>) dst(%dma_wait3A_65 : memref<632x144xf32, #tpu.memory_space<hbm>>)
      tpu.yield
    }) : () -> ()
    return
  }
}

#map = affine_map<(d0, d1) -> (0, 0, 0)>
#map1 = affine_map<(d0, d1) -> (0, 0)>
module attributes {stable_mosaic.version = 14 : i64} {
  func.func @_sc_pass(%arg0: i32, %arg1: i32, %arg2: memref<32x313x32xi32, #tpu.memory_space<hbm>>, %arg3: memref<32x313x32xi32, #tpu.memory_space<hbm>>, %arg4: memref<10112x144xf32, #tpu.memory_space<hbm>>, %arg5: memref<10112x144xf32, #tpu.memory_space<hbm>>, %arg6: memref<2x10112x144xf32, #tpu.memory_space<hbm>>, %arg7: memref<10112x144xf32, #tpu.memory_space<vmem_shared>>, %arg8: memref<313x32xi32, #tpu.memory_space<vmem>>, %arg9: memref<313x32xi32, #tpu.memory_space<vmem>>, %arg10: memref<4x32x144xf32, #tpu.memory_space<vmem>>, %arg11: memref<4x!tpu.dma_semaphore, #tpu.memory_space<semaphore_mem>>) attributes {dimension_semantics = [#tpu.dimension_semantics<core_parallel>, #tpu.dimension_semantics<subcore_parallel>], iteration_bounds = array<i64: 2, 16>, scalar_prefetch = 0 : i64, scratch_operands = 5 : i64, tpu.core_type = #tpu.core_type<sc_vector_subcore>, window_params = [{transform_indices = #map}, {transform_indices = #map}, {transform_indices = #map1}, {transform_indices = #map1}, {transform_indices = #map}]} {
    %mul3A = arith.constant 2 : i32
    %mul3A_0 = arith.muli %arg1, %mul3A : i32
    %add3A = arith.addi %mul3A_0, %arg0 : i32
    %mul3A_1 = arith.constant 632 : i32
    %mul3A_2 = arith.muli %arg1, %mul3A_1 : i32
    %mul3A_3 = arith.constant 632 : i32
    %mul3A_4 = arith.muli %arg1, %mul3A_3 : i32
    "tpu.region"() ({
      %run_scoped3A = tpu.sem_alloc : memref<!tpu.dma_semaphore, #tpu.memory_space<semaphore_mem>>
      %dma_start3A_59 = arith.constant 0 : i32
      %dma_start3A_60 = tpu.memref_slice %arg7[%mul3A_4, %dma_start3A_59] : memref<10112x144xf32, #tpu.memory_space<vmem_shared>> -> memref<632x144xf32, #tpu.memory_space<vmem_shared>>
      %dma_start3A_61 = arith.constant 0 : i32
      %dma_start3A_62 = tpu.memref_slice %arg5[%mul3A_2, %dma_start3A_61] : memref<10112x144xf32, #tpu.memory_space<hbm>> -> memref<632x144xf32, #tpu.memory_space<hbm>>
      tpu.enqueue_dma source(%dma_start3A_62 : memref<632x144xf32, #tpu.memory_space<hbm>>) target(%dma_start3A_60 : memref<632x144xf32, #tpu.memory_space<vmem_shared>>) target_semaphore(%run_scoped3A : memref<!tpu.dma_semaphore, #tpu.memory_space<semaphore_mem>>)
      %dma_wait3A = arith.constant 0 : i32
      %dma_wait3A_63 = tpu.memref_slice %arg7[%mul3A_4, %dma_wait3A] : memref<10112x144xf32, #tpu.memory_space<vmem_shared>> -> memref<632x144xf32, #tpu.memory_space<vmem_shared>>
      %dma_wait3A_64 = arith.constant 0 : i32
      %dma_wait3A_65 = tpu.memref_slice %arg5[%mul3A_2, %dma_wait3A_64] : memref<10112x144xf32, #tpu.memory_space<hbm>> -> memref<632x144xf32, #tpu.memory_space<hbm>>
      tpu.wait_dma2 semaphore(%run_scoped3A : memref<!tpu.dma_semaphore, #tpu.memory_space<semaphore_mem>>) src(%dma_wait3A_65 : memref<632x144xf32, #tpu.memory_space<hbm>>) dst(%dma_wait3A_63 : memref<632x144xf32, #tpu.memory_space<vmem_shared>>)
      tpu.yield
    }) : () -> ()
    "tpu.region"() ({
      %run_scoped3A = tpu.sem_alloc : memref<!tpu.dma_semaphore, #tpu.memory_space<semaphore_mem>>
      %dma_start3A_59 = arith.constant 0 : i32
      %dma_start3A_60 = arith.constant 0 : i32
      %dma_start3A_61 = tpu.memref_slice %arg2[%add3A, %dma_start3A_59, %dma_start3A_60] : memref<32x313x32xi32, #tpu.memory_space<hbm>> -> memref<1x313x32xi32, #tpu.memory_space<hbm>>
      %dma_start3A_62 = tpu.memref_squeeze %dma_start3A_61 : memref<1x313x32xi32, #tpu.memory_space<hbm>> -> memref<313x32xi32, #tpu.memory_space<hbm>>
      %dma_start3A_63 = arith.constant 0 : i32
      %dma_start3A_64 = arith.constant 0 : i32
      %dma_start3A_65 = tpu.memref_slice %arg2[%add3A, %dma_start3A_63, %dma_start3A_64] : memref<32x313x32xi32, #tpu.memory_space<hbm>> -> memref<1x313x32xi32, #tpu.memory_space<hbm>>
      %dma_start3A_66 = tpu.memref_squeeze %dma_start3A_65 : memref<1x313x32xi32, #tpu.memory_space<hbm>> -> memref<313x32xi32, #tpu.memory_space<hbm>>
      tpu.enqueue_dma source(%dma_start3A_66 : memref<313x32xi32, #tpu.memory_space<hbm>>) target(%arg8 : memref<313x32xi32, #tpu.memory_space<vmem>>) target_semaphore(%run_scoped3A : memref<!tpu.dma_semaphore, #tpu.memory_space<semaphore_mem>>)
      %dma_wait3A = arith.constant 0 : i32
      %dma_wait3A_67 = arith.constant 0 : i32
      %dma_wait3A_68 = tpu.memref_slice %arg2[%add3A, %dma_wait3A, %dma_wait3A_67] : memref<32x313x32xi32, #tpu.memory_space<hbm>> -> memref<1x313x32xi32, #tpu.memory_space<hbm>>
      %dma_wait3A_69 = tpu.memref_squeeze %dma_wait3A_68 : memref<1x313x32xi32, #tpu.memory_space<hbm>> -> memref<313x32xi32, #tpu.memory_space<hbm>>
      %dma_wait3A_70 = arith.constant 0 : i32
      %dma_wait3A_71 = arith.constant 0 : i32
      %dma_wait3A_72 = tpu.memref_slice %arg2[%add3A, %dma_wait3A_70, %dma_wait3A_71] : memref<32x313x32xi32, #tpu.memory_space<hbm>> -> memref<1x313x32xi32, #tpu.memory_space<hbm>>
      %dma_wait3A_73 = tpu.memref_squeeze %dma_wait3A_72 : memref<1x313x32xi32, #tpu.memory_space<hbm>> -> memref<313x32xi32, #tpu.memory_space<hbm>>
      tpu.wait_dma2 semaphore(%run_scoped3A : memref<!tpu.dma_semaphore, #tpu.memory_space<semaphore_mem>>) src(%dma_wait3A_73 : memref<313x32xi32, #tpu.memory_space<hbm>>) dst(%arg8 : memref<313x32xi32, #tpu.memory_space<vmem>>)
      tpu.yield
    }) : () -> ()
    "tpu.region"() ({
      %run_scoped3A = tpu.sem_alloc : memref<!tpu.dma_semaphore, #tpu.memory_space<semaphore_mem>>
      %dma_start3A_59 = arith.constant 0 : i32
      %dma_start3A_60 = arith.constant 0 : i32
      %dma_start3A_61 = tpu.memref_slice %arg3[%add3A, %dma_start3A_59, %dma_start3A_60] : memref<32x313x32xi32, #tpu.memory_space<hbm>> -> memref<1x313x32xi32, #tpu.memory_space<hbm>>
      %dma_start3A_62 = tpu.memref_squeeze %dma_start3A_61 : memref<1x313x32xi32, #tpu.memory_space<hbm>> -> memref<313x32xi32, #tpu.memory_space<hbm>>
      %dma_start3A_63 = arith.constant 0 : i32
      %dma_start3A_64 = arith.constant 0 : i32
      %dma_start3A_65 = tpu.memref_slice %arg3[%add3A, %dma_start3A_63, %dma_start3A_64] : memref<32x313x32xi32, #tpu.memory_space<hbm>> -> memref<1x313x32xi32, #tpu.memory_space<hbm>>
      %dma_start3A_66 = tpu.memref_squeeze %dma_start3A_65 : memref<1x313x32xi32, #tpu.memory_space<hbm>> -> memref<313x32xi32, #tpu.memory_space<hbm>>
      tpu.enqueue_dma source(%dma_start3A_66 : memref<313x32xi32, #tpu.memory_space<hbm>>) target(%arg9 : memref<313x32xi32, #tpu.memory_space<vmem>>) target_semaphore(%run_scoped3A : memref<!tpu.dma_semaphore, #tpu.memory_space<semaphore_mem>>)
      %dma_wait3A = arith.constant 0 : i32
      %dma_wait3A_67 = arith.constant 0 : i32
      %dma_wait3A_68 = tpu.memref_slice %arg3[%add3A, %dma_wait3A, %dma_wait3A_67] : memref<32x313x32xi32, #tpu.memory_space<hbm>> -> memref<1x313x32xi32, #tpu.memory_space<hbm>>
      %dma_wait3A_69 = tpu.memref_squeeze %dma_wait3A_68 : memref<1x313x32xi32, #tpu.memory_space<hbm>> -> memref<313x32xi32, #tpu.memory_space<hbm>>
      %dma_wait3A_70 = arith.constant 0 : i32
      %dma_wait3A_71 = arith.constant 0 : i32
      %dma_wait3A_72 = tpu.memref_slice %arg3[%add3A, %dma_wait3A_70, %dma_wait3A_71] : memref<32x313x32xi32, #tpu.memory_space<hbm>> -> memref<1x313x32xi32, #tpu.memory_space<hbm>>
      %dma_wait3A_73 = tpu.memref_squeeze %dma_wait3A_72 : memref<1x313x32xi32, #tpu.memory_space<hbm>> -> memref<313x32xi32, #tpu.memory_space<hbm>>
      tpu.wait_dma2 semaphore(%run_scoped3A : memref<!tpu.dma_semaphore, #tpu.memory_space<semaphore_mem>>) src(%dma_wait3A_73 : memref<313x32xi32, #tpu.memory_space<hbm>>) dst(%arg9 : memref<313x32xi32, #tpu.memory_space<vmem>>)
      tpu.yield
    }) : () -> ()
    %barrier3A = arith.constant 0 : index
    tpu.barrier barrier_id(%barrier3A)
    %dma_start3A = arith.constant 0 : i32
    %dma_start3A_5 = arith.constant 0 : i32
    %dma_start3A_6 = arith.constant 0 : i32
    %dma_start3A_7 = arith.constant 0 : i32
    %dma_start3A_8 = arith.constant 0 : i32
    %dma_start3A_9 = tpu.memref_slice %arg10[%dma_start3A_5, %dma_start3A_7, %dma_start3A_8] : memref<4x32x144xf32, #tpu.memory_space<vmem>> -> memref<1x32x144xf32, #tpu.memory_space<vmem>>
    %dma_start3A_10 = tpu.memref_squeeze %dma_start3A_9 : memref<1x32x144xf32, #tpu.memory_space<vmem>> -> memref<32x144xf32, #tpu.memory_space<vmem>>
    %dma_start3A_11 = arith.constant 0 : i32
    %dma_start3A_12 = tpu.memref_slice %arg8[%dma_start3A, %dma_start3A_11] : memref<313x32xi32, #tpu.memory_space<vmem>> -> memref<1x32xi32, #tpu.memory_space<vmem>>
    %dma_start3A_13 = tpu.memref_squeeze %dma_start3A_12 : memref<1x32xi32, #tpu.memory_space<vmem>> -> memref<32xi32, #tpu.memory_space<vmem>>
    %dma_start3A_14 = arith.constant 0 : i32
    %dma_start3A_15 = arith.constant 0 : i32
    %dma_start3A_16 = tpu.memref_slice %arg4[%dma_start3A_14, %dma_start3A_15] : memref<10112x144xf32, #tpu.memory_space<hbm>> -> memref<10112x144xf32, #tpu.memory_space<hbm>>
    %dma_start3A_17 = tpu.memref_slice %arg11[%dma_start3A_6] : memref<4x!tpu.dma_semaphore, #tpu.memory_space<semaphore_mem>> -> memref<1x!tpu.dma_semaphore, #tpu.memory_space<semaphore_mem>>
    %dma_start3A_18 = tpu.memref_squeeze %dma_start3A_17 : memref<1x!tpu.dma_semaphore, #tpu.memory_space<semaphore_mem>> -> memref<!tpu.dma_semaphore, #tpu.memory_space<semaphore_mem>>
    tpu.enqueue_indirect_dma source(%dma_start3A_16 : memref<10112x144xf32, #tpu.memory_space<hbm>>) target(%dma_start3A_10 : memref<32x144xf32, #tpu.memory_space<vmem>>) offsets(%dma_start3A_13 : memref<32xi32, #tpu.memory_space<vmem>>) semaphore(%dma_start3A_18 : memref<!tpu.dma_semaphore, #tpu.memory_space<semaphore_mem>>)
    %dma_start3A_19 = arith.constant 1 : i32
    %dma_start3A_20 = arith.constant 1 : i32
    %dma_start3A_21 = arith.constant 1 : i32
    %dma_start3A_22 = arith.constant 0 : i32
    %dma_start3A_23 = arith.constant 0 : i32
    %dma_start3A_24 = tpu.memref_slice %arg10[%dma_start3A_20, %dma_start3A_22, %dma_start3A_23] : memref<4x32x144xf32, #tpu.memory_space<vmem>> -> memref<1x32x144xf32, #tpu.memory_space<vmem>>
    %dma_start3A_25 = tpu.memref_squeeze %dma_start3A_24 : memref<1x32x144xf32, #tpu.memory_space<vmem>> -> memref<32x144xf32, #tpu.memory_space<vmem>>
    %dma_start3A_26 = arith.constant 0 : i32
    %dma_start3A_27 = tpu.memref_slice %arg8[%dma_start3A_19, %dma_start3A_26] : memref<313x32xi32, #tpu.memory_space<vmem>> -> memref<1x32xi32, #tpu.memory_space<vmem>>
    %dma_start3A_28 = tpu.memref_squeeze %dma_start3A_27 : memref<1x32xi32, #tpu.memory_space<vmem>> -> memref<32xi32, #tpu.memory_space<vmem>>
    %dma_start3A_29 = arith.constant 0 : i32
    %dma_start3A_30 = arith.constant 0 : i32
    %dma_start3A_31 = tpu.memref_slice %arg4[%dma_start3A_29, %dma_start3A_30] : memref<10112x144xf32, #tpu.memory_space<hbm>> -> memref<10112x144xf32, #tpu.memory_space<hbm>>
    %dma_start3A_32 = tpu.memref_slice %arg11[%dma_start3A_21] : memref<4x!tpu.dma_semaphore, #tpu.memory_space<semaphore_mem>> -> memref<1x!tpu.dma_semaphore, #tpu.memory_space<semaphore_mem>>
    %dma_start3A_33 = tpu.memref_squeeze %dma_start3A_32 : memref<1x!tpu.dma_semaphore, #tpu.memory_space<semaphore_mem>> -> memref<!tpu.dma_semaphore, #tpu.memory_space<semaphore_mem>>
    tpu.enqueue_indirect_dma source(%dma_start3A_31 : memref<10112x144xf32, #tpu.memory_space<hbm>>) target(%dma_start3A_25 : memref<32x144xf32, #tpu.memory_space<vmem>>) offsets(%dma_start3A_28 : memref<32xi32, #tpu.memory_space<vmem>>) semaphore(%dma_start3A_33 : memref<!tpu.dma_semaphore, #tpu.memory_space<semaphore_mem>>)
    %dma_start3A_34 = arith.constant 2 : i32
    %dma_start3A_35 = arith.constant 2 : i32
    %dma_start3A_36 = arith.constant 2 : i32
    %dma_start3A_37 = arith.constant 0 : i32
    %dma_start3A_38 = arith.constant 0 : i32
    %dma_start3A_39 = tpu.memref_slice %arg10[%dma_start3A_35, %dma_start3A_37, %dma_start3A_38] : memref<4x32x144xf32, #tpu.memory_space<vmem>> -> memref<1x32x144xf32, #tpu.memory_space<vmem>>
    %dma_start3A_40 = tpu.memref_squeeze %dma_start3A_39 : memref<1x32x144xf32, #tpu.memory_space<vmem>> -> memref<32x144xf32, #tpu.memory_space<vmem>>
    %dma_start3A_41 = arith.constant 0 : i32
    %dma_start3A_42 = tpu.memref_slice %arg8[%dma_start3A_34, %dma_start3A_41] : memref<313x32xi32, #tpu.memory_space<vmem>> -> memref<1x32xi32, #tpu.memory_space<vmem>>
    %dma_start3A_43 = tpu.memref_squeeze %dma_start3A_42 : memref<1x32xi32, #tpu.memory_space<vmem>> -> memref<32xi32, #tpu.memory_space<vmem>>
    %dma_start3A_44 = arith.constant 0 : i32
    %dma_start3A_45 = arith.constant 0 : i32
    %dma_start3A_46 = tpu.memref_slice %arg4[%dma_start3A_44, %dma_start3A_45] : memref<10112x144xf32, #tpu.memory_space<hbm>> -> memref<10112x144xf32, #tpu.memory_space<hbm>>
    %dma_start3A_47 = tpu.memref_slice %arg11[%dma_start3A_36] : memref<4x!tpu.dma_semaphore, #tpu.memory_space<semaphore_mem>> -> memref<1x!tpu.dma_semaphore, #tpu.memory_space<semaphore_mem>>
    %dma_start3A_48 = tpu.memref_squeeze %dma_start3A_47 : memref<1x!tpu.dma_semaphore, #tpu.memory_space<semaphore_mem>> -> memref<!tpu.dma_semaphore, #tpu.memory_space<semaphore_mem>>
    tpu.enqueue_indirect_dma source(%dma_start3A_46 : memref<10112x144xf32, #tpu.memory_space<hbm>>) target(%dma_start3A_40 : memref<32x144xf32, #tpu.memory_space<vmem>>) offsets(%dma_start3A_43 : memref<32xi32, #tpu.memory_space<vmem>>) semaphore(%dma_start3A_48 : memref<!tpu.dma_semaphore, #tpu.memory_space<semaphore_mem>>)
    %scan3A = arith.constant 0 : i32
    %scan3A_49 = arith.constant 0 : i32
    %scan3A_50 = arith.constant 313 : i32
    %scan3A_51 = arith.addi %scan3A_49, %scan3A_50 : i32
    %scan3A_52 = arith.constant 1 : i32
    scf.for %scan3A_59 = %scan3A_49 to %scan3A_51 step %scan3A_52  : i32 {
      %rem3A = arith.constant 4 : i32
      %rem3A_60 = arith.remsi %scan3A_59, %rem3A : i32
      %add3A_61 = arith.constant 4 : i32
      %add3A_62 = arith.addi %scan3A_59, %add3A_61 : i32
      %sub3A = arith.constant 1 : i32
      %sub3A_63 = arith.subi %add3A_62, %sub3A : i32
      %rem3A_64 = arith.constant 4 : i32
      %rem3A_65 = arith.remsi %sub3A_63, %rem3A_64 : i32
      %dma_wait3A = arith.constant 0 : i32
      %dma_wait3A_66 = arith.constant 0 : i32
      %dma_wait3A_67 = tpu.memref_slice %arg10[%rem3A_60, %dma_wait3A, %dma_wait3A_66] : memref<4x32x144xf32, #tpu.memory_space<vmem>> -> memref<1x32x144xf32, #tpu.memory_space<vmem>>
      %dma_wait3A_68 = tpu.memref_squeeze %dma_wait3A_67 : memref<1x32x144xf32, #tpu.memory_space<vmem>> -> memref<32x144xf32, #tpu.memory_space<vmem>>
      %dma_wait3A_69 = arith.constant 0 : i32
      %dma_wait3A_70 = tpu.memref_slice %arg8[%scan3A_59, %dma_wait3A_69] : memref<313x32xi32, #tpu.memory_space<vmem>> -> memref<1x32xi32, #tpu.memory_space<vmem>>
      %dma_wait3A_71 = tpu.memref_squeeze %dma_wait3A_70 : memref<1x32xi32, #tpu.memory_space<vmem>> -> memref<32xi32, #tpu.memory_space<vmem>>
      %dma_wait3A_72 = arith.constant 0 : i32
      %dma_wait3A_73 = arith.constant 0 : i32
      %dma_wait3A_74 = tpu.memref_slice %arg4[%dma_wait3A_72, %dma_wait3A_73] : memref<10112x144xf32, #tpu.memory_space<hbm>> -> memref<10112x144xf32, #tpu.memory_space<hbm>>
      %dma_wait3A_75 = tpu.memref_slice %arg11[%rem3A_60] : memref<4x!tpu.dma_semaphore, #tpu.memory_space<semaphore_mem>> -> memref<1x!tpu.dma_semaphore, #tpu.memory_space<semaphore_mem>>
      %dma_wait3A_76 = tpu.memref_squeeze %dma_wait3A_75 : memref<1x!tpu.dma_semaphore, #tpu.memory_space<semaphore_mem>> -> memref<!tpu.dma_semaphore, #tpu.memory_space<semaphore_mem>>
      tpu.wait_indirect_dma semaphore(%dma_wait3A_76 : memref<!tpu.dma_semaphore, #tpu.memory_space<semaphore_mem>>) src(%dma_wait3A_74 : memref<10112x144xf32, #tpu.memory_space<hbm>>) dst(%dma_wait3A_68 : memref<32x144xf32, #tpu.memory_space<vmem>>)
      %add3A_77 = arith.constant 4 : i32
      %add3A_78 = arith.addi %scan3A_59, %add3A_77 : i32
      %sub3A_79 = arith.constant 1 : i32
      %sub3A_80 = arith.subi %add3A_78, %sub3A_79 : i32
      %lt3A = arith.constant 313 : i32
      %lt3A_81 = arith.cmpi slt, %sub3A_80, %lt3A : i32
      %convert_element_type3A = arith.extui %lt3A_81 : i1 to i32
      %cond3A = arith.constant 0 : i32
      %cond3A_82 = arith.cmpi ne, %convert_element_type3A, %cond3A : i32
      scf.if %cond3A_82 {
        %add3A_83 = arith.constant 4 : i32
        %add3A_84 = arith.addi %scan3A_59, %add3A_83 : i32
        %sub3A_85 = arith.constant 1 : i32
        %sub3A_86 = arith.subi %add3A_84, %sub3A_85 : i32
        %dma_start3A_87 = arith.constant 0 : i32
        %dma_start3A_88 = arith.constant 0 : i32
        %dma_start3A_89 = tpu.memref_slice %arg10[%rem3A_65, %dma_start3A_87, %dma_start3A_88] : memref<4x32x144xf32, #tpu.memory_space<vmem>> -> memref<1x32x144xf32, #tpu.memory_space<vmem>>
        %dma_start3A_90 = tpu.memref_squeeze %dma_start3A_89 : memref<1x32x144xf32, #tpu.memory_space<vmem>> -> memref<32x144xf32, #tpu.memory_space<vmem>>
        %dma_start3A_91 = arith.constant 0 : i32
        %dma_start3A_92 = tpu.memref_slice %arg8[%sub3A_86, %dma_start3A_91] : memref<313x32xi32, #tpu.memory_space<vmem>> -> memref<1x32xi32, #tpu.memory_space<vmem>>
        %dma_start3A_93 = tpu.memref_squeeze %dma_start3A_92 : memref<1x32xi32, #tpu.memory_space<vmem>> -> memref<32xi32, #tpu.memory_space<vmem>>
        %dma_start3A_94 = arith.constant 0 : i32
        %dma_start3A_95 = arith.constant 0 : i32
        %dma_start3A_96 = tpu.memref_slice %arg4[%dma_start3A_94, %dma_start3A_95] : memref<10112x144xf32, #tpu.memory_space<hbm>> -> memref<10112x144xf32, #tpu.memory_space<hbm>>
        %dma_start3A_97 = tpu.memref_slice %arg11[%rem3A_65] : memref<4x!tpu.dma_semaphore, #tpu.memory_space<semaphore_mem>> -> memref<1x!tpu.dma_semaphore, #tpu.memory_space<semaphore_mem>>
        %dma_start3A_98 = tpu.memref_squeeze %dma_start3A_97 : memref<1x!tpu.dma_semaphore, #tpu.memory_space<semaphore_mem>> -> memref<!tpu.dma_semaphore, #tpu.memory_space<semaphore_mem>>
        tpu.enqueue_indirect_dma source(%dma_start3A_96 : memref<10112x144xf32, #tpu.memory_space<hbm>>) target(%dma_start3A_90 : memref<32x144xf32, #tpu.memory_space<vmem>>) offsets(%dma_start3A_93 : memref<32xi32, #tpu.memory_space<vmem>>) semaphore(%dma_start3A_98 : memref<!tpu.dma_semaphore, #tpu.memory_space<semaphore_mem>>)
      } else {
      }
      "tpu.region"() ({
        %run_scoped3A = tpu.sem_alloc : memref<!tpu.dma_semaphore, #tpu.memory_space<semaphore_mem>>
        %dma_start3A_83 = arith.constant 0 : i32
        %dma_start3A_84 = arith.constant 0 : i32
        %dma_start3A_85 = tpu.memref_slice %arg10[%rem3A_60, %dma_start3A_83, %dma_start3A_84] : memref<4x32x144xf32, #tpu.memory_space<vmem>> -> memref<1x32x144xf32, #tpu.memory_space<vmem>>
        %dma_start3A_86 = tpu.memref_squeeze %dma_start3A_85 : memref<1x32x144xf32, #tpu.memory_space<vmem>> -> memref<32x144xf32, #tpu.memory_space<vmem>>
        %dma_start3A_87 = arith.constant 0 : i32
        %dma_start3A_88 = tpu.memref_slice %arg9[%scan3A_59, %dma_start3A_87] : memref<313x32xi32, #tpu.memory_space<vmem>> -> memref<1x32xi32, #tpu.memory_space<vmem>>
        %dma_start3A_89 = tpu.memref_squeeze %dma_start3A_88 : memref<1x32xi32, #tpu.memory_space<vmem>> -> memref<32xi32, #tpu.memory_space<vmem>>
        %dma_start3A_90 = arith.constant 0 : i32
        %dma_start3A_91 = arith.constant 0 : i32
        %dma_start3A_92 = tpu.memref_slice %arg7[%dma_start3A_90, %dma_start3A_91] : memref<10112x144xf32, #tpu.memory_space<vmem_shared>> -> memref<10112x144xf32, #tpu.memory_space<vmem_shared>>
        tpu.enqueue_indirect_dma source(%dma_start3A_86 : memref<32x144xf32, #tpu.memory_space<vmem>>) target(%dma_start3A_92 : memref<10112x144xf32, #tpu.memory_space<vmem_shared>>) offsets(%dma_start3A_89 : memref<32xi32, #tpu.memory_space<vmem>>) semaphore(%run_scoped3A : memref<!tpu.dma_semaphore, #tpu.memory_space<semaphore_mem>>) {add = true}
        %dma_wait3A_93 = arith.constant 0 : i32
        %dma_wait3A_94 = arith.constant 0 : i32
        %dma_wait3A_95 = tpu.memref_slice %arg10[%rem3A_60, %dma_wait3A_93, %dma_wait3A_94] : memref<4x32x144xf32, #tpu.memory_space<vmem>> -> memref<1x32x144xf32, #tpu.memory_space<vmem>>
        %dma_wait3A_96 = tpu.memref_squeeze %dma_wait3A_95 : memref<1x32x144xf32, #tpu.memory_space<vmem>> -> memref<32x144xf32, #tpu.memory_space<vmem>>
        %dma_wait3A_97 = arith.constant 0 : i32
        %dma_wait3A_98 = tpu.memref_slice %arg9[%scan3A_59, %dma_wait3A_97] : memref<313x32xi32, #tpu.memory_space<vmem>> -> memref<1x32xi32, #tpu.memory_space<vmem>>
        %dma_wait3A_99 = tpu.memref_squeeze %dma_wait3A_98 : memref<1x32xi32, #tpu.memory_space<vmem>> -> memref<32xi32, #tpu.memory_space<vmem>>
        %dma_wait3A_100 = arith.constant 0 : i32
        %dma_wait3A_101 = arith.constant 0 : i32
        %dma_wait3A_102 = tpu.memref_slice %arg7[%dma_wait3A_100, %dma_wait3A_101] : memref<10112x144xf32, #tpu.memory_space<vmem_shared>> -> memref<10112x144xf32, #tpu.memory_space<vmem_shared>>
        tpu.wait_indirect_dma semaphore(%run_scoped3A : memref<!tpu.dma_semaphore, #tpu.memory_space<semaphore_mem>>) src(%dma_wait3A_96 : memref<32x144xf32, #tpu.memory_space<vmem>>) dst(%dma_wait3A_102 : memref<10112x144xf32, #tpu.memory_space<vmem_shared>>)
        tpu.yield
      }) : () -> ()
    }
    %scan3A_53 = arith.constant 313 : i32
    %barrier3A_54 = arith.constant 0 : index
    tpu.barrier barrier_id(%barrier3A_54)
    %mul3A_55 = arith.constant 632 : i32
    %mul3A_56 = arith.muli %arg1, %mul3A_55 : i32
    %mul3A_57 = arith.constant 632 : i32
    %mul3A_58 = arith.muli %arg1, %mul3A_57 : i32
    "tpu.region"() ({
      %run_scoped3A = tpu.sem_alloc : memref<!tpu.dma_semaphore, #tpu.memory_space<semaphore_mem>>
      %dma_start3A_59 = arith.constant 0 : i32
      %dma_start3A_60 = tpu.memref_slice %arg6[%arg0, %mul3A_58, %dma_start3A_59] : memref<2x10112x144xf32, #tpu.memory_space<hbm>> -> memref<1x632x144xf32, #tpu.memory_space<hbm>>
      %dma_start3A_61 = tpu.memref_squeeze %dma_start3A_60 : memref<1x632x144xf32, #tpu.memory_space<hbm>> -> memref<632x144xf32, #tpu.memory_space<hbm>>
      %dma_start3A_62 = arith.constant 0 : i32
      %dma_start3A_63 = tpu.memref_slice %arg7[%mul3A_56, %dma_start3A_62] : memref<10112x144xf32, #tpu.memory_space<vmem_shared>> -> memref<632x144xf32, #tpu.memory_space<vmem_shared>>
      tpu.enqueue_dma source(%dma_start3A_63 : memref<632x144xf32, #tpu.memory_space<vmem_shared>>) target(%dma_start3A_61 : memref<632x144xf32, #tpu.memory_space<hbm>>) target_semaphore(%run_scoped3A : memref<!tpu.dma_semaphore, #tpu.memory_space<semaphore_mem>>)
      %dma_wait3A = arith.constant 0 : i32
      %dma_wait3A_64 = tpu.memref_slice %arg6[%arg0, %mul3A_58, %dma_wait3A] : memref<2x10112x144xf32, #tpu.memory_space<hbm>> -> memref<1x632x144xf32, #tpu.memory_space<hbm>>
      %dma_wait3A_65 = tpu.memref_squeeze %dma_wait3A_64 : memref<1x632x144xf32, #tpu.memory_space<hbm>> -> memref<632x144xf32, #tpu.memory_space<hbm>>
      %dma_wait3A_66 = arith.constant 0 : i32
      %dma_wait3A_67 = tpu.memref_slice %arg7[%mul3A_56, %dma_wait3A_66] : memref<10112x144xf32, #tpu.memory_space<vmem_shared>> -> memref<632x144xf32, #tpu.memory_space<vmem_shared>>
      tpu.wait_dma2 semaphore(%run_scoped3A : memref<!tpu.dma_semaphore, #tpu.memory_space<semaphore_mem>>) src(%dma_wait3A_67 : memref<632x144xf32, #tpu.memory_space<vmem_shared>>) dst(%dma_wait3A_65 : memref<632x144xf32, #tpu.memory_space<hbm>>)
      tpu.yield
    }) : () -> ()
    return
  }
}

#map = affine_map<(d0, d1) -> (0, 0, 0)>
#map1 = affine_map<(d0, d1) -> (0, 0)>
module attributes {stable_mosaic.version = 14 : i64} {
  func.func @_sc_pass(%arg0: i32, %arg1: i32, %arg2: memref<32x313x32xi32, #tpu.memory_space<hbm>>, %arg3: memref<32x313x32xi32, #tpu.memory_space<hbm>>, %arg4: memref<10112x144xf32, #tpu.memory_space<hbm>>, %arg5: memref<10112x144xf32, #tpu.memory_space<hbm>>, %arg6: memref<2x10112x144xf32, #tpu.memory_space<hbm>>, %arg7: memref<10112x144xf32, #tpu.memory_space<vmem_shared>>, %arg8: memref<313x32xi32, #tpu.memory_space<vmem>>, %arg9: memref<313x32xi32, #tpu.memory_space<vmem>>, %arg10: memref<4x32x144xf32, #tpu.memory_space<vmem>>, %arg11: memref<4x!tpu.dma_semaphore, #tpu.memory_space<semaphore_mem>>) attributes {dimension_semantics = [#tpu.dimension_semantics<core_parallel>, #tpu.dimension_semantics<subcore_parallel>], iteration_bounds = array<i64: 2, 16>, scalar_prefetch = 0 : i64, scratch_operands = 5 : i64, tpu.core_type = #tpu.core_type<sc_vector_subcore>, window_params = [{transform_indices = #map}, {transform_indices = #map}, {transform_indices = #map1}, {transform_indices = #map1}, {transform_indices = #map}]} {
    %mul3A = arith.constant 2 : i32
    %mul3A_0 = arith.muli %arg1, %mul3A : i32
    %add3A = arith.addi %mul3A_0, %arg0 : i32
    %mul3A_1 = arith.constant 632 : i32
    %mul3A_2 = arith.muli %arg1, %mul3A_1 : i32
    %mul3A_3 = arith.constant 632 : i32
    %mul3A_4 = arith.muli %arg1, %mul3A_3 : i32
    "tpu.region"() ({
      %run_scoped3A = tpu.sem_alloc : memref<!tpu.dma_semaphore, #tpu.memory_space<semaphore_mem>>
      %dma_start3A_59 = arith.constant 0 : i32
      %dma_start3A_60 = tpu.memref_slice %arg7[%mul3A_4, %dma_start3A_59] : memref<10112x144xf32, #tpu.memory_space<vmem_shared>> -> memref<632x144xf32, #tpu.memory_space<vmem_shared>>
      %dma_start3A_61 = arith.constant 0 : i32
      %dma_start3A_62 = tpu.memref_slice %arg5[%mul3A_2, %dma_start3A_61] : memref<10112x144xf32, #tpu.memory_space<hbm>> -> memref<632x144xf32, #tpu.memory_space<hbm>>
      tpu.enqueue_dma source(%dma_start3A_62 : memref<632x144xf32, #tpu.memory_space<hbm>>) target(%dma_start3A_60 : memref<632x144xf32, #tpu.memory_space<vmem_shared>>) target_semaphore(%run_scoped3A : memref<!tpu.dma_semaphore, #tpu.memory_space<semaphore_mem>>)
      %dma_wait3A = arith.constant 0 : i32
      %dma_wait3A_63 = tpu.memref_slice %arg7[%mul3A_4, %dma_wait3A] : memref<10112x144xf32, #tpu.memory_space<vmem_shared>> -> memref<632x144xf32, #tpu.memory_space<vmem_shared>>
      %dma_wait3A_64 = arith.constant 0 : i32
      %dma_wait3A_65 = tpu.memref_slice %arg5[%mul3A_2, %dma_wait3A_64] : memref<10112x144xf32, #tpu.memory_space<hbm>> -> memref<632x144xf32, #tpu.memory_space<hbm>>
      tpu.wait_dma2 semaphore(%run_scoped3A : memref<!tpu.dma_semaphore, #tpu.memory_space<semaphore_mem>>) src(%dma_wait3A_65 : memref<632x144xf32, #tpu.memory_space<hbm>>) dst(%dma_wait3A_63 : memref<632x144xf32, #tpu.memory_space<vmem_shared>>)
      tpu.yield
    }) : () -> ()
    "tpu.region"() ({
      %run_scoped3A = tpu.sem_alloc : memref<!tpu.dma_semaphore, #tpu.memory_space<semaphore_mem>>
      %dma_start3A_59 = arith.constant 0 : i32
      %dma_start3A_60 = arith.constant 0 : i32
      %dma_start3A_61 = tpu.memref_slice %arg2[%add3A, %dma_start3A_59, %dma_start3A_60] : memref<32x313x32xi32, #tpu.memory_space<hbm>> -> memref<1x313x32xi32, #tpu.memory_space<hbm>>
      %dma_start3A_62 = tpu.memref_squeeze %dma_start3A_61 : memref<1x313x32xi32, #tpu.memory_space<hbm>> -> memref<313x32xi32, #tpu.memory_space<hbm>>
      %dma_start3A_63 = arith.constant 0 : i32
      %dma_start3A_64 = arith.constant 0 : i32
      %dma_start3A_65 = tpu.memref_slice %arg2[%add3A, %dma_start3A_63, %dma_start3A_64] : memref<32x313x32xi32, #tpu.memory_space<hbm>> -> memref<1x313x32xi32, #tpu.memory_space<hbm>>
      %dma_start3A_66 = tpu.memref_squeeze %dma_start3A_65 : memref<1x313x32xi32, #tpu.memory_space<hbm>> -> memref<313x32xi32, #tpu.memory_space<hbm>>
      tpu.enqueue_dma source(%dma_start3A_66 : memref<313x32xi32, #tpu.memory_space<hbm>>) target(%arg8 : memref<313x32xi32, #tpu.memory_space<vmem>>) target_semaphore(%run_scoped3A : memref<!tpu.dma_semaphore, #tpu.memory_space<semaphore_mem>>)
      %dma_wait3A = arith.constant 0 : i32
      %dma_wait3A_67 = arith.constant 0 : i32
      %dma_wait3A_68 = tpu.memref_slice %arg2[%add3A, %dma_wait3A, %dma_wait3A_67] : memref<32x313x32xi32, #tpu.memory_space<hbm>> -> memref<1x313x32xi32, #tpu.memory_space<hbm>>
      %dma_wait3A_69 = tpu.memref_squeeze %dma_wait3A_68 : memref<1x313x32xi32, #tpu.memory_space<hbm>> -> memref<313x32xi32, #tpu.memory_space<hbm>>
      %dma_wait3A_70 = arith.constant 0 : i32
      %dma_wait3A_71 = arith.constant 0 : i32
      %dma_wait3A_72 = tpu.memref_slice %arg2[%add3A, %dma_wait3A_70, %dma_wait3A_71] : memref<32x313x32xi32, #tpu.memory_space<hbm>> -> memref<1x313x32xi32, #tpu.memory_space<hbm>>
      %dma_wait3A_73 = tpu.memref_squeeze %dma_wait3A_72 : memref<1x313x32xi32, #tpu.memory_space<hbm>> -> memref<313x32xi32, #tpu.memory_space<hbm>>
      tpu.wait_dma2 semaphore(%run_scoped3A : memref<!tpu.dma_semaphore, #tpu.memory_space<semaphore_mem>>) src(%dma_wait3A_73 : memref<313x32xi32, #tpu.memory_space<hbm>>) dst(%arg8 : memref<313x32xi32, #tpu.memory_space<vmem>>)
      tpu.yield
    }) : () -> ()
    "tpu.region"() ({
      %run_scoped3A = tpu.sem_alloc : memref<!tpu.dma_semaphore, #tpu.memory_space<semaphore_mem>>
      %dma_start3A_59 = arith.constant 0 : i32
      %dma_start3A_60 = arith.constant 0 : i32
      %dma_start3A_61 = tpu.memref_slice %arg3[%add3A, %dma_start3A_59, %dma_start3A_60] : memref<32x313x32xi32, #tpu.memory_space<hbm>> -> memref<1x313x32xi32, #tpu.memory_space<hbm>>
      %dma_start3A_62 = tpu.memref_squeeze %dma_start3A_61 : memref<1x313x32xi32, #tpu.memory_space<hbm>> -> memref<313x32xi32, #tpu.memory_space<hbm>>
      %dma_start3A_63 = arith.constant 0 : i32
      %dma_start3A_64 = arith.constant 0 : i32
      %dma_start3A_65 = tpu.memref_slice %arg3[%add3A, %dma_start3A_63, %dma_start3A_64] : memref<32x313x32xi32, #tpu.memory_space<hbm>> -> memref<1x313x32xi32, #tpu.memory_space<hbm>>
      %dma_start3A_66 = tpu.memref_squeeze %dma_start3A_65 : memref<1x313x32xi32, #tpu.memory_space<hbm>> -> memref<313x32xi32, #tpu.memory_space<hbm>>
      tpu.enqueue_dma source(%dma_start3A_66 : memref<313x32xi32, #tpu.memory_space<hbm>>) target(%arg9 : memref<313x32xi32, #tpu.memory_space<vmem>>) target_semaphore(%run_scoped3A : memref<!tpu.dma_semaphore, #tpu.memory_space<semaphore_mem>>)
      %dma_wait3A = arith.constant 0 : i32
      %dma_wait3A_67 = arith.constant 0 : i32
      %dma_wait3A_68 = tpu.memref_slice %arg3[%add3A, %dma_wait3A, %dma_wait3A_67] : memref<32x313x32xi32, #tpu.memory_space<hbm>> -> memref<1x313x32xi32, #tpu.memory_space<hbm>>
      %dma_wait3A_69 = tpu.memref_squeeze %dma_wait3A_68 : memref<1x313x32xi32, #tpu.memory_space<hbm>> -> memref<313x32xi32, #tpu.memory_space<hbm>>
      %dma_wait3A_70 = arith.constant 0 : i32
      %dma_wait3A_71 = arith.constant 0 : i32
      %dma_wait3A_72 = tpu.memref_slice %arg3[%add3A, %dma_wait3A_70, %dma_wait3A_71] : memref<32x313x32xi32, #tpu.memory_space<hbm>> -> memref<1x313x32xi32, #tpu.memory_space<hbm>>
      %dma_wait3A_73 = tpu.memref_squeeze %dma_wait3A_72 : memref<1x313x32xi32, #tpu.memory_space<hbm>> -> memref<313x32xi32, #tpu.memory_space<hbm>>
      tpu.wait_dma2 semaphore(%run_scoped3A : memref<!tpu.dma_semaphore, #tpu.memory_space<semaphore_mem>>) src(%dma_wait3A_73 : memref<313x32xi32, #tpu.memory_space<hbm>>) dst(%arg9 : memref<313x32xi32, #tpu.memory_space<vmem>>)
      tpu.yield
    }) : () -> ()
    %barrier3A = arith.constant 0 : index
    tpu.barrier barrier_id(%barrier3A)
    %dma_start3A = arith.constant 0 : i32
    %dma_start3A_5 = arith.constant 0 : i32
    %dma_start3A_6 = arith.constant 0 : i32
    %dma_start3A_7 = arith.constant 0 : i32
    %dma_start3A_8 = arith.constant 0 : i32
    %dma_start3A_9 = tpu.memref_slice %arg10[%dma_start3A_5, %dma_start3A_7, %dma_start3A_8] : memref<4x32x144xf32, #tpu.memory_space<vmem>> -> memref<1x32x144xf32, #tpu.memory_space<vmem>>
    %dma_start3A_10 = tpu.memref_squeeze %dma_start3A_9 : memref<1x32x144xf32, #tpu.memory_space<vmem>> -> memref<32x144xf32, #tpu.memory_space<vmem>>
    %dma_start3A_11 = arith.constant 0 : i32
    %dma_start3A_12 = tpu.memref_slice %arg8[%dma_start3A, %dma_start3A_11] : memref<313x32xi32, #tpu.memory_space<vmem>> -> memref<1x32xi32, #tpu.memory_space<vmem>>
    %dma_start3A_13 = tpu.memref_squeeze %dma_start3A_12 : memref<1x32xi32, #tpu.memory_space<vmem>> -> memref<32xi32, #tpu.memory_space<vmem>>
    %dma_start3A_14 = arith.constant 0 : i32
    %dma_start3A_15 = arith.constant 0 : i32
    %dma_start3A_16 = tpu.memref_slice %arg4[%dma_start3A_14, %dma_start3A_15] : memref<10112x144xf32, #tpu.memory_space<hbm>> -> memref<10112x144xf32, #tpu.memory_space<hbm>>
    %dma_start3A_17 = tpu.memref_slice %arg11[%dma_start3A_6] : memref<4x!tpu.dma_semaphore, #tpu.memory_space<semaphore_mem>> -> memref<1x!tpu.dma_semaphore, #tpu.memory_space<semaphore_mem>>
    %dma_start3A_18 = tpu.memref_squeeze %dma_start3A_17 : memref<1x!tpu.dma_semaphore, #tpu.memory_space<semaphore_mem>> -> memref<!tpu.dma_semaphore, #tpu.memory_space<semaphore_mem>>
    tpu.enqueue_indirect_dma source(%dma_start3A_16 : memref<10112x144xf32, #tpu.memory_space<hbm>>) target(%dma_start3A_10 : memref<32x144xf32, #tpu.memory_space<vmem>>) offsets(%dma_start3A_13 : memref<32xi32, #tpu.memory_space<vmem>>) semaphore(%dma_start3A_18 : memref<!tpu.dma_semaphore, #tpu.memory_space<semaphore_mem>>)
    %dma_start3A_19 = arith.constant 1 : i32
    %dma_start3A_20 = arith.constant 1 : i32
    %dma_start3A_21 = arith.constant 1 : i32
    %dma_start3A_22 = arith.constant 0 : i32
    %dma_start3A_23 = arith.constant 0 : i32
    %dma_start3A_24 = tpu.memref_slice %arg10[%dma_start3A_20, %dma_start3A_22, %dma_start3A_23] : memref<4x32x144xf32, #tpu.memory_space<vmem>> -> memref<1x32x144xf32, #tpu.memory_space<vmem>>
    %dma_start3A_25 = tpu.memref_squeeze %dma_start3A_24 : memref<1x32x144xf32, #tpu.memory_space<vmem>> -> memref<32x144xf32, #tpu.memory_space<vmem>>
    %dma_start3A_26 = arith.constant 0 : i32
    %dma_start3A_27 = tpu.memref_slice %arg8[%dma_start3A_19, %dma_start3A_26] : memref<313x32xi32, #tpu.memory_space<vmem>> -> memref<1x32xi32, #tpu.memory_space<vmem>>
    %dma_start3A_28 = tpu.memref_squeeze %dma_start3A_27 : memref<1x32xi32, #tpu.memory_space<vmem>> -> memref<32xi32, #tpu.memory_space<vmem>>
    %dma_start3A_29 = arith.constant 0 : i32
    %dma_start3A_30 = arith.constant 0 : i32
    %dma_start3A_31 = tpu.memref_slice %arg4[%dma_start3A_29, %dma_start3A_30] : memref<10112x144xf32, #tpu.memory_space<hbm>> -> memref<10112x144xf32, #tpu.memory_space<hbm>>
    %dma_start3A_32 = tpu.memref_slice %arg11[%dma_start3A_21] : memref<4x!tpu.dma_semaphore, #tpu.memory_space<semaphore_mem>> -> memref<1x!tpu.dma_semaphore, #tpu.memory_space<semaphore_mem>>
    %dma_start3A_33 = tpu.memref_squeeze %dma_start3A_32 : memref<1x!tpu.dma_semaphore, #tpu.memory_space<semaphore_mem>> -> memref<!tpu.dma_semaphore, #tpu.memory_space<semaphore_mem>>
    tpu.enqueue_indirect_dma source(%dma_start3A_31 : memref<10112x144xf32, #tpu.memory_space<hbm>>) target(%dma_start3A_25 : memref<32x144xf32, #tpu.memory_space<vmem>>) offsets(%dma_start3A_28 : memref<32xi32, #tpu.memory_space<vmem>>) semaphore(%dma_start3A_33 : memref<!tpu.dma_semaphore, #tpu.memory_space<semaphore_mem>>)
    %dma_start3A_34 = arith.constant 2 : i32
    %dma_start3A_35 = arith.constant 2 : i32
    %dma_start3A_36 = arith.constant 2 : i32
    %dma_start3A_37 = arith.constant 0 : i32
    %dma_start3A_38 = arith.constant 0 : i32
    %dma_start3A_39 = tpu.memref_slice %arg10[%dma_start3A_35, %dma_start3A_37, %dma_start3A_38] : memref<4x32x144xf32, #tpu.memory_space<vmem>> -> memref<1x32x144xf32, #tpu.memory_space<vmem>>
    %dma_start3A_40 = tpu.memref_squeeze %dma_start3A_39 : memref<1x32x144xf32, #tpu.memory_space<vmem>> -> memref<32x144xf32, #tpu.memory_space<vmem>>
    %dma_start3A_41 = arith.constant 0 : i32
    %dma_start3A_42 = tpu.memref_slice %arg8[%dma_start3A_34, %dma_start3A_41] : memref<313x32xi32, #tpu.memory_space<vmem>> -> memref<1x32xi32, #tpu.memory_space<vmem>>
    %dma_start3A_43 = tpu.memref_squeeze %dma_start3A_42 : memref<1x32xi32, #tpu.memory_space<vmem>> -> memref<32xi32, #tpu.memory_space<vmem>>
    %dma_start3A_44 = arith.constant 0 : i32
    %dma_start3A_45 = arith.constant 0 : i32
    %dma_start3A_46 = tpu.memref_slice %arg4[%dma_start3A_44, %dma_start3A_45] : memref<10112x144xf32, #tpu.memory_space<hbm>> -> memref<10112x144xf32, #tpu.memory_space<hbm>>
    %dma_start3A_47 = tpu.memref_slice %arg11[%dma_start3A_36] : memref<4x!tpu.dma_semaphore, #tpu.memory_space<semaphore_mem>> -> memref<1x!tpu.dma_semaphore, #tpu.memory_space<semaphore_mem>>
    %dma_start3A_48 = tpu.memref_squeeze %dma_start3A_47 : memref<1x!tpu.dma_semaphore, #tpu.memory_space<semaphore_mem>> -> memref<!tpu.dma_semaphore, #tpu.memory_space<semaphore_mem>>
    tpu.enqueue_indirect_dma source(%dma_start3A_46 : memref<10112x144xf32, #tpu.memory_space<hbm>>) target(%dma_start3A_40 : memref<32x144xf32, #tpu.memory_space<vmem>>) offsets(%dma_start3A_43 : memref<32xi32, #tpu.memory_space<vmem>>) semaphore(%dma_start3A_48 : memref<!tpu.dma_semaphore, #tpu.memory_space<semaphore_mem>>)
    %scan3A = arith.constant 0 : i32
    %scan3A_49 = arith.constant 0 : i32
    %scan3A_50 = arith.constant 313 : i32
    %scan3A_51 = arith.addi %scan3A_49, %scan3A_50 : i32
    %scan3A_52 = arith.constant 1 : i32
    scf.for %scan3A_59 = %scan3A_49 to %scan3A_51 step %scan3A_52  : i32 {
      %rem3A = arith.constant 4 : i32
      %rem3A_60 = arith.remsi %scan3A_59, %rem3A : i32
      %add3A_61 = arith.constant 4 : i32
      %add3A_62 = arith.addi %scan3A_59, %add3A_61 : i32
      %sub3A = arith.constant 1 : i32
      %sub3A_63 = arith.subi %add3A_62, %sub3A : i32
      %rem3A_64 = arith.constant 4 : i32
      %rem3A_65 = arith.remsi %sub3A_63, %rem3A_64 : i32
      %dma_wait3A = arith.constant 0 : i32
      %dma_wait3A_66 = arith.constant 0 : i32
      %dma_wait3A_67 = tpu.memref_slice %arg10[%rem3A_60, %dma_wait3A, %dma_wait3A_66] : memref<4x32x144xf32, #tpu.memory_space<vmem>> -> memref<1x32x144xf32, #tpu.memory_space<vmem>>
      %dma_wait3A_68 = tpu.memref_squeeze %dma_wait3A_67 : memref<1x32x144xf32, #tpu.memory_space<vmem>> -> memref<32x144xf32, #tpu.memory_space<vmem>>
      %dma_wait3A_69 = arith.constant 0 : i32
      %dma_wait3A_70 = tpu.memref_slice %arg8[%scan3A_59, %dma_wait3A_69] : memref<313x32xi32, #tpu.memory_space<vmem>> -> memref<1x32xi32, #tpu.memory_space<vmem>>
      %dma_wait3A_71 = tpu.memref_squeeze %dma_wait3A_70 : memref<1x32xi32, #tpu.memory_space<vmem>> -> memref<32xi32, #tpu.memory_space<vmem>>
      %dma_wait3A_72 = arith.constant 0 : i32
      %dma_wait3A_73 = arith.constant 0 : i32
      %dma_wait3A_74 = tpu.memref_slice %arg4[%dma_wait3A_72, %dma_wait3A_73] : memref<10112x144xf32, #tpu.memory_space<hbm>> -> memref<10112x144xf32, #tpu.memory_space<hbm>>
      %dma_wait3A_75 = tpu.memref_slice %arg11[%rem3A_60] : memref<4x!tpu.dma_semaphore, #tpu.memory_space<semaphore_mem>> -> memref<1x!tpu.dma_semaphore, #tpu.memory_space<semaphore_mem>>
      %dma_wait3A_76 = tpu.memref_squeeze %dma_wait3A_75 : memref<1x!tpu.dma_semaphore, #tpu.memory_space<semaphore_mem>> -> memref<!tpu.dma_semaphore, #tpu.memory_space<semaphore_mem>>
      tpu.wait_indirect_dma semaphore(%dma_wait3A_76 : memref<!tpu.dma_semaphore, #tpu.memory_space<semaphore_mem>>) src(%dma_wait3A_74 : memref<10112x144xf32, #tpu.memory_space<hbm>>) dst(%dma_wait3A_68 : memref<32x144xf32, #tpu.memory_space<vmem>>)
      %add3A_77 = arith.constant 4 : i32
      %add3A_78 = arith.addi %scan3A_59, %add3A_77 : i32
      %sub3A_79 = arith.constant 1 : i32
      %sub3A_80 = arith.subi %add3A_78, %sub3A_79 : i32
      %lt3A = arith.constant 313 : i32
      %lt3A_81 = arith.cmpi slt, %sub3A_80, %lt3A : i32
      %convert_element_type3A = arith.extui %lt3A_81 : i1 to i32
      %cond3A = arith.constant 0 : i32
      %cond3A_82 = arith.cmpi ne, %convert_element_type3A, %cond3A : i32
      scf.if %cond3A_82 {
        %add3A_83 = arith.constant 4 : i32
        %add3A_84 = arith.addi %scan3A_59, %add3A_83 : i32
        %sub3A_85 = arith.constant 1 : i32
        %sub3A_86 = arith.subi %add3A_84, %sub3A_85 : i32
        %dma_start3A_87 = arith.constant 0 : i32
        %dma_start3A_88 = arith.constant 0 : i32
        %dma_start3A_89 = tpu.memref_slice %arg10[%rem3A_65, %dma_start3A_87, %dma_start3A_88] : memref<4x32x144xf32, #tpu.memory_space<vmem>> -> memref<1x32x144xf32, #tpu.memory_space<vmem>>
        %dma_start3A_90 = tpu.memref_squeeze %dma_start3A_89 : memref<1x32x144xf32, #tpu.memory_space<vmem>> -> memref<32x144xf32, #tpu.memory_space<vmem>>
        %dma_start3A_91 = arith.constant 0 : i32
        %dma_start3A_92 = tpu.memref_slice %arg8[%sub3A_86, %dma_start3A_91] : memref<313x32xi32, #tpu.memory_space<vmem>> -> memref<1x32xi32, #tpu.memory_space<vmem>>
        %dma_start3A_93 = tpu.memref_squeeze %dma_start3A_92 : memref<1x32xi32, #tpu.memory_space<vmem>> -> memref<32xi32, #tpu.memory_space<vmem>>
        %dma_start3A_94 = arith.constant 0 : i32
        %dma_start3A_95 = arith.constant 0 : i32
        %dma_start3A_96 = tpu.memref_slice %arg4[%dma_start3A_94, %dma_start3A_95] : memref<10112x144xf32, #tpu.memory_space<hbm>> -> memref<10112x144xf32, #tpu.memory_space<hbm>>
        %dma_start3A_97 = tpu.memref_slice %arg11[%rem3A_65] : memref<4x!tpu.dma_semaphore, #tpu.memory_space<semaphore_mem>> -> memref<1x!tpu.dma_semaphore, #tpu.memory_space<semaphore_mem>>
        %dma_start3A_98 = tpu.memref_squeeze %dma_start3A_97 : memref<1x!tpu.dma_semaphore, #tpu.memory_space<semaphore_mem>> -> memref<!tpu.dma_semaphore, #tpu.memory_space<semaphore_mem>>
        tpu.enqueue_indirect_dma source(%dma_start3A_96 : memref<10112x144xf32, #tpu.memory_space<hbm>>) target(%dma_start3A_90 : memref<32x144xf32, #tpu.memory_space<vmem>>) offsets(%dma_start3A_93 : memref<32xi32, #tpu.memory_space<vmem>>) semaphore(%dma_start3A_98 : memref<!tpu.dma_semaphore, #tpu.memory_space<semaphore_mem>>)
      } else {
      }
      "tpu.region"() ({
        %run_scoped3A = tpu.sem_alloc : memref<!tpu.dma_semaphore, #tpu.memory_space<semaphore_mem>>
        %dma_start3A_83 = arith.constant 0 : i32
        %dma_start3A_84 = arith.constant 0 : i32
        %dma_start3A_85 = tpu.memref_slice %arg10[%rem3A_60, %dma_start3A_83, %dma_start3A_84] : memref<4x32x144xf32, #tpu.memory_space<vmem>> -> memref<1x32x144xf32, #tpu.memory_space<vmem>>
        %dma_start3A_86 = tpu.memref_squeeze %dma_start3A_85 : memref<1x32x144xf32, #tpu.memory_space<vmem>> -> memref<32x144xf32, #tpu.memory_space<vmem>>
        %dma_start3A_87 = arith.constant 0 : i32
        %dma_start3A_88 = tpu.memref_slice %arg9[%scan3A_59, %dma_start3A_87] : memref<313x32xi32, #tpu.memory_space<vmem>> -> memref<1x32xi32, #tpu.memory_space<vmem>>
        %dma_start3A_89 = tpu.memref_squeeze %dma_start3A_88 : memref<1x32xi32, #tpu.memory_space<vmem>> -> memref<32xi32, #tpu.memory_space<vmem>>
        %dma_start3A_90 = arith.constant 0 : i32
        %dma_start3A_91 = arith.constant 0 : i32
        %dma_start3A_92 = tpu.memref_slice %arg7[%dma_start3A_90, %dma_start3A_91] : memref<10112x144xf32, #tpu.memory_space<vmem_shared>> -> memref<10112x144xf32, #tpu.memory_space<vmem_shared>>
        tpu.enqueue_indirect_dma source(%dma_start3A_86 : memref<32x144xf32, #tpu.memory_space<vmem>>) target(%dma_start3A_92 : memref<10112x144xf32, #tpu.memory_space<vmem_shared>>) offsets(%dma_start3A_89 : memref<32xi32, #tpu.memory_space<vmem>>) semaphore(%run_scoped3A : memref<!tpu.dma_semaphore, #tpu.memory_space<semaphore_mem>>) {add = true}
        %dma_wait3A_93 = arith.constant 0 : i32
        %dma_wait3A_94 = arith.constant 0 : i32
        %dma_wait3A_95 = tpu.memref_slice %arg10[%rem3A_60, %dma_wait3A_93, %dma_wait3A_94] : memref<4x32x144xf32, #tpu.memory_space<vmem>> -> memref<1x32x144xf32, #tpu.memory_space<vmem>>
        %dma_wait3A_96 = tpu.memref_squeeze %dma_wait3A_95 : memref<1x32x144xf32, #tpu.memory_space<vmem>> -> memref<32x144xf32, #tpu.memory_space<vmem>>
        %dma_wait3A_97 = arith.constant 0 : i32
        %dma_wait3A_98 = tpu.memref_slice %arg9[%scan3A_59, %dma_wait3A_97] : memref<313x32xi32, #tpu.memory_space<vmem>> -> memref<1x32xi32, #tpu.memory_space<vmem>>
        %dma_wait3A_99 = tpu.memref_squeeze %dma_wait3A_98 : memref<1x32xi32, #tpu.memory_space<vmem>> -> memref<32xi32, #tpu.memory_space<vmem>>
        %dma_wait3A_100 = arith.constant 0 : i32
        %dma_wait3A_101 = arith.constant 0 : i32
        %dma_wait3A_102 = tpu.memref_slice %arg7[%dma_wait3A_100, %dma_wait3A_101] : memref<10112x144xf32, #tpu.memory_space<vmem_shared>> -> memref<10112x144xf32, #tpu.memory_space<vmem_shared>>
        tpu.wait_indirect_dma semaphore(%run_scoped3A : memref<!tpu.dma_semaphore, #tpu.memory_space<semaphore_mem>>) src(%dma_wait3A_96 : memref<32x144xf32, #tpu.memory_space<vmem>>) dst(%dma_wait3A_102 : memref<10112x144xf32, #tpu.memory_space<vmem_shared>>)
        tpu.yield
      }) : () -> ()
    }
    %scan3A_53 = arith.constant 313 : i32
    %barrier3A_54 = arith.constant 0 : index
    tpu.barrier barrier_id(%barrier3A_54)
    %mul3A_55 = arith.constant 632 : i32
    %mul3A_56 = arith.muli %arg1, %mul3A_55 : i32
    %mul3A_57 = arith.constant 632 : i32
    %mul3A_58 = arith.muli %arg1, %mul3A_57 : i32
    "tpu.region"() ({
      %run_scoped3A = tpu.sem_alloc : memref<!tpu.dma_semaphore, #tpu.memory_space<semaphore_mem>>
      %dma_start3A_59 = arith.constant 0 : i32
      %dma_start3A_60 = tpu.memref_slice %arg6[%arg0, %mul3A_58, %dma_start3A_59] : memref<2x10112x144xf32, #tpu.memory_space<hbm>> -> memref<1x632x144xf32, #tpu.memory_space<hbm>>
      %dma_start3A_61 = tpu.memref_squeeze %dma_start3A_60 : memref<1x632x144xf32, #tpu.memory_space<hbm>> -> memref<632x144xf32, #tpu.memory_space<hbm>>
      %dma_start3A_62 = arith.constant 0 : i32
      %dma_start3A_63 = tpu.memref_slice %arg7[%mul3A_56, %dma_start3A_62] : memref<10112x144xf32, #tpu.memory_space<vmem_shared>> -> memref<632x144xf32, #tpu.memory_space<vmem_shared>>
      tpu.enqueue_dma source(%dma_start3A_63 : memref<632x144xf32, #tpu.memory_space<vmem_shared>>) target(%dma_start3A_61 : memref<632x144xf32, #tpu.memory_space<hbm>>) target_semaphore(%run_scoped3A : memref<!tpu.dma_semaphore, #tpu.memory_space<semaphore_mem>>)
      %dma_wait3A = arith.constant 0 : i32
      %dma_wait3A_64 = tpu.memref_slice %arg6[%arg0, %mul3A_58, %dma_wait3A] : memref<2x10112x144xf32, #tpu.memory_space<hbm>> -> memref<1x632x144xf32, #tpu.memory_space<hbm>>
      %dma_wait3A_65 = tpu.memref_squeeze %dma_wait3A_64 : memref<1x632x144xf32, #tpu.memory_space<hbm>> -> memref<632x144xf32, #tpu.memory_space<hbm>>
      %dma_wait3A_66 = arith.constant 0 : i32
      %dma_wait3A_67 = tpu.memref_slice %arg7[%mul3A_56, %dma_wait3A_66] : memref<10112x144xf32, #tpu.memory_space<vmem_shared>> -> memref<632x144xf32, #tpu.memory_space<vmem_shared>>
      tpu.wait_dma2 semaphore(%run_scoped3A : memref<!tpu.dma_semaphore, #tpu.memory_space<semaphore_mem>>) src(%dma_wait3A_67 : memref<632x144xf32, #tpu.memory_space<vmem_shared>>) dst(%dma_wait3A_65 : memref<632x144xf32, #tpu.memory_space<hbm>>)
      tpu.yield
    }) : () -> ()
    return
  }
}

#map = affine_map<(d0, d1) -> (0, 0, 0)>
#map1 = affine_map<(d0, d1) -> (0, 0)>
module attributes {stable_mosaic.version = 14 : i64} {
  func.func @_sc_pass(%arg0: i32, %arg1: i32, %arg2: memref<32x313x32xi32, #tpu.memory_space<hbm>>, %arg3: memref<32x313x32xi32, #tpu.memory_space<hbm>>, %arg4: memref<10112x144xf32, #tpu.memory_space<hbm>>, %arg5: memref<10112x144xf32, #tpu.memory_space<hbm>>, %arg6: memref<2x10112x144xf32, #tpu.memory_space<hbm>>, %arg7: memref<10112x144xf32, #tpu.memory_space<vmem_shared>>, %arg8: memref<313x32xi32, #tpu.memory_space<vmem>>, %arg9: memref<313x32xi32, #tpu.memory_space<vmem>>, %arg10: memref<4x32x144xf32, #tpu.memory_space<vmem>>, %arg11: memref<4x!tpu.dma_semaphore, #tpu.memory_space<semaphore_mem>>) attributes {dimension_semantics = [#tpu.dimension_semantics<core_parallel>, #tpu.dimension_semantics<subcore_parallel>], iteration_bounds = array<i64: 2, 16>, scalar_prefetch = 0 : i64, scratch_operands = 5 : i64, tpu.core_type = #tpu.core_type<sc_vector_subcore>, window_params = [{transform_indices = #map}, {transform_indices = #map}, {transform_indices = #map1}, {transform_indices = #map1}, {transform_indices = #map}]} {
    %mul3A = arith.constant 2 : i32
    %mul3A_0 = arith.muli %arg1, %mul3A : i32
    %add3A = arith.addi %mul3A_0, %arg0 : i32
    %mul3A_1 = arith.constant 632 : i32
    %mul3A_2 = arith.muli %arg1, %mul3A_1 : i32
    %mul3A_3 = arith.constant 632 : i32
    %mul3A_4 = arith.muli %arg1, %mul3A_3 : i32
    "tpu.region"() ({
      %run_scoped3A = tpu.sem_alloc : memref<!tpu.dma_semaphore, #tpu.memory_space<semaphore_mem>>
      %dma_start3A_59 = arith.constant 0 : i32
      %dma_start3A_60 = tpu.memref_slice %arg7[%mul3A_4, %dma_start3A_59] : memref<10112x144xf32, #tpu.memory_space<vmem_shared>> -> memref<632x144xf32, #tpu.memory_space<vmem_shared>>
      %dma_start3A_61 = arith.constant 0 : i32
      %dma_start3A_62 = tpu.memref_slice %arg5[%mul3A_2, %dma_start3A_61] : memref<10112x144xf32, #tpu.memory_space<hbm>> -> memref<632x144xf32, #tpu.memory_space<hbm>>
      tpu.enqueue_dma source(%dma_start3A_62 : memref<632x144xf32, #tpu.memory_space<hbm>>) target(%dma_start3A_60 : memref<632x144xf32, #tpu.memory_space<vmem_shared>>) target_semaphore(%run_scoped3A : memref<!tpu.dma_semaphore, #tpu.memory_space<semaphore_mem>>)
      %dma_wait3A = arith.constant 0 : i32
      %dma_wait3A_63 = tpu.memref_slice %arg7[%mul3A_4, %dma_wait3A] : memref<10112x144xf32, #tpu.memory_space<vmem_shared>> -> memref<632x144xf32, #tpu.memory_space<vmem_shared>>
      %dma_wait3A_64 = arith.constant 0 : i32
      %dma_wait3A_65 = tpu.memref_slice %arg5[%mul3A_2, %dma_wait3A_64] : memref<10112x144xf32, #tpu.memory_space<hbm>> -> memref<632x144xf32, #tpu.memory_space<hbm>>
      tpu.wait_dma2 semaphore(%run_scoped3A : memref<!tpu.dma_semaphore, #tpu.memory_space<semaphore_mem>>) src(%dma_wait3A_65 : memref<632x144xf32, #tpu.memory_space<hbm>>) dst(%dma_wait3A_63 : memref<632x144xf32, #tpu.memory_space<vmem_shared>>)
      tpu.yield
    }) : () -> ()
    "tpu.region"() ({
      %run_scoped3A = tpu.sem_alloc : memref<!tpu.dma_semaphore, #tpu.memory_space<semaphore_mem>>
      %dma_start3A_59 = arith.constant 0 : i32
      %dma_start3A_60 = arith.constant 0 : i32
      %dma_start3A_61 = tpu.memref_slice %arg2[%add3A, %dma_start3A_59, %dma_start3A_60] : memref<32x313x32xi32, #tpu.memory_space<hbm>> -> memref<1x313x32xi32, #tpu.memory_space<hbm>>
      %dma_start3A_62 = tpu.memref_squeeze %dma_start3A_61 : memref<1x313x32xi32, #tpu.memory_space<hbm>> -> memref<313x32xi32, #tpu.memory_space<hbm>>
      %dma_start3A_63 = arith.constant 0 : i32
      %dma_start3A_64 = arith.constant 0 : i32
      %dma_start3A_65 = tpu.memref_slice %arg2[%add3A, %dma_start3A_63, %dma_start3A_64] : memref<32x313x32xi32, #tpu.memory_space<hbm>> -> memref<1x313x32xi32, #tpu.memory_space<hbm>>
      %dma_start3A_66 = tpu.memref_squeeze %dma_start3A_65 : memref<1x313x32xi32, #tpu.memory_space<hbm>> -> memref<313x32xi32, #tpu.memory_space<hbm>>
      tpu.enqueue_dma source(%dma_start3A_66 : memref<313x32xi32, #tpu.memory_space<hbm>>) target(%arg8 : memref<313x32xi32, #tpu.memory_space<vmem>>) target_semaphore(%run_scoped3A : memref<!tpu.dma_semaphore, #tpu.memory_space<semaphore_mem>>)
      %dma_wait3A = arith.constant 0 : i32
      %dma_wait3A_67 = arith.constant 0 : i32
      %dma_wait3A_68 = tpu.memref_slice %arg2[%add3A, %dma_wait3A, %dma_wait3A_67] : memref<32x313x32xi32, #tpu.memory_space<hbm>> -> memref<1x313x32xi32, #tpu.memory_space<hbm>>
      %dma_wait3A_69 = tpu.memref_squeeze %dma_wait3A_68 : memref<1x313x32xi32, #tpu.memory_space<hbm>> -> memref<313x32xi32, #tpu.memory_space<hbm>>
      %dma_wait3A_70 = arith.constant 0 : i32
      %dma_wait3A_71 = arith.constant 0 : i32
      %dma_wait3A_72 = tpu.memref_slice %arg2[%add3A, %dma_wait3A_70, %dma_wait3A_71] : memref<32x313x32xi32, #tpu.memory_space<hbm>> -> memref<1x313x32xi32, #tpu.memory_space<hbm>>
      %dma_wait3A_73 = tpu.memref_squeeze %dma_wait3A_72 : memref<1x313x32xi32, #tpu.memory_space<hbm>> -> memref<313x32xi32, #tpu.memory_space<hbm>>
      tpu.wait_dma2 semaphore(%run_scoped3A : memref<!tpu.dma_semaphore, #tpu.memory_space<semaphore_mem>>) src(%dma_wait3A_73 : memref<313x32xi32, #tpu.memory_space<hbm>>) dst(%arg8 : memref<313x32xi32, #tpu.memory_space<vmem>>)
      tpu.yield
    }) : () -> ()
    "tpu.region"() ({
      %run_scoped3A = tpu.sem_alloc : memref<!tpu.dma_semaphore, #tpu.memory_space<semaphore_mem>>
      %dma_start3A_59 = arith.constant 0 : i32
      %dma_start3A_60 = arith.constant 0 : i32
      %dma_start3A_61 = tpu.memref_slice %arg3[%add3A, %dma_start3A_59, %dma_start3A_60] : memref<32x313x32xi32, #tpu.memory_space<hbm>> -> memref<1x313x32xi32, #tpu.memory_space<hbm>>
      %dma_start3A_62 = tpu.memref_squeeze %dma_start3A_61 : memref<1x313x32xi32, #tpu.memory_space<hbm>> -> memref<313x32xi32, #tpu.memory_space<hbm>>
      %dma_start3A_63 = arith.constant 0 : i32
      %dma_start3A_64 = arith.constant 0 : i32
      %dma_start3A_65 = tpu.memref_slice %arg3[%add3A, %dma_start3A_63, %dma_start3A_64] : memref<32x313x32xi32, #tpu.memory_space<hbm>> -> memref<1x313x32xi32, #tpu.memory_space<hbm>>
      %dma_start3A_66 = tpu.memref_squeeze %dma_start3A_65 : memref<1x313x32xi32, #tpu.memory_space<hbm>> -> memref<313x32xi32, #tpu.memory_space<hbm>>
      tpu.enqueue_dma source(%dma_start3A_66 : memref<313x32xi32, #tpu.memory_space<hbm>>) target(%arg9 : memref<313x32xi32, #tpu.memory_space<vmem>>) target_semaphore(%run_scoped3A : memref<!tpu.dma_semaphore, #tpu.memory_space<semaphore_mem>>)
      %dma_wait3A = arith.constant 0 : i32
      %dma_wait3A_67 = arith.constant 0 : i32
      %dma_wait3A_68 = tpu.memref_slice %arg3[%add3A, %dma_wait3A, %dma_wait3A_67] : memref<32x313x32xi32, #tpu.memory_space<hbm>> -> memref<1x313x32xi32, #tpu.memory_space<hbm>>
      %dma_wait3A_69 = tpu.memref_squeeze %dma_wait3A_68 : memref<1x313x32xi32, #tpu.memory_space<hbm>> -> memref<313x32xi32, #tpu.memory_space<hbm>>
      %dma_wait3A_70 = arith.constant 0 : i32
      %dma_wait3A_71 = arith.constant 0 : i32
      %dma_wait3A_72 = tpu.memref_slice %arg3[%add3A, %dma_wait3A_70, %dma_wait3A_71] : memref<32x313x32xi32, #tpu.memory_space<hbm>> -> memref<1x313x32xi32, #tpu.memory_space<hbm>>
      %dma_wait3A_73 = tpu.memref_squeeze %dma_wait3A_72 : memref<1x313x32xi32, #tpu.memory_space<hbm>> -> memref<313x32xi32, #tpu.memory_space<hbm>>
      tpu.wait_dma2 semaphore(%run_scoped3A : memref<!tpu.dma_semaphore, #tpu.memory_space<semaphore_mem>>) src(%dma_wait3A_73 : memref<313x32xi32, #tpu.memory_space<hbm>>) dst(%arg9 : memref<313x32xi32, #tpu.memory_space<vmem>>)
      tpu.yield
    }) : () -> ()
    %barrier3A = arith.constant 0 : index
    tpu.barrier barrier_id(%barrier3A)
    %dma_start3A = arith.constant 0 : i32
    %dma_start3A_5 = arith.constant 0 : i32
    %dma_start3A_6 = arith.constant 0 : i32
    %dma_start3A_7 = arith.constant 0 : i32
    %dma_start3A_8 = arith.constant 0 : i32
    %dma_start3A_9 = tpu.memref_slice %arg10[%dma_start3A_5, %dma_start3A_7, %dma_start3A_8] : memref<4x32x144xf32, #tpu.memory_space<vmem>> -> memref<1x32x144xf32, #tpu.memory_space<vmem>>
    %dma_start3A_10 = tpu.memref_squeeze %dma_start3A_9 : memref<1x32x144xf32, #tpu.memory_space<vmem>> -> memref<32x144xf32, #tpu.memory_space<vmem>>
    %dma_start3A_11 = arith.constant 0 : i32
    %dma_start3A_12 = tpu.memref_slice %arg8[%dma_start3A, %dma_start3A_11] : memref<313x32xi32, #tpu.memory_space<vmem>> -> memref<1x32xi32, #tpu.memory_space<vmem>>
    %dma_start3A_13 = tpu.memref_squeeze %dma_start3A_12 : memref<1x32xi32, #tpu.memory_space<vmem>> -> memref<32xi32, #tpu.memory_space<vmem>>
    %dma_start3A_14 = arith.constant 0 : i32
    %dma_start3A_15 = arith.constant 0 : i32
    %dma_start3A_16 = tpu.memref_slice %arg4[%dma_start3A_14, %dma_start3A_15] : memref<10112x144xf32, #tpu.memory_space<hbm>> -> memref<10112x144xf32, #tpu.memory_space<hbm>>
    %dma_start3A_17 = tpu.memref_slice %arg11[%dma_start3A_6] : memref<4x!tpu.dma_semaphore, #tpu.memory_space<semaphore_mem>> -> memref<1x!tpu.dma_semaphore, #tpu.memory_space<semaphore_mem>>
    %dma_start3A_18 = tpu.memref_squeeze %dma_start3A_17 : memref<1x!tpu.dma_semaphore, #tpu.memory_space<semaphore_mem>> -> memref<!tpu.dma_semaphore, #tpu.memory_space<semaphore_mem>>
    tpu.enqueue_indirect_dma source(%dma_start3A_16 : memref<10112x144xf32, #tpu.memory_space<hbm>>) target(%dma_start3A_10 : memref<32x144xf32, #tpu.memory_space<vmem>>) offsets(%dma_start3A_13 : memref<32xi32, #tpu.memory_space<vmem>>) semaphore(%dma_start3A_18 : memref<!tpu.dma_semaphore, #tpu.memory_space<semaphore_mem>>)
    %dma_start3A_19 = arith.constant 1 : i32
    %dma_start3A_20 = arith.constant 1 : i32
    %dma_start3A_21 = arith.constant 1 : i32
    %dma_start3A_22 = arith.constant 0 : i32
    %dma_start3A_23 = arith.constant 0 : i32
    %dma_start3A_24 = tpu.memref_slice %arg10[%dma_start3A_20, %dma_start3A_22, %dma_start3A_23] : memref<4x32x144xf32, #tpu.memory_space<vmem>> -> memref<1x32x144xf32, #tpu.memory_space<vmem>>
    %dma_start3A_25 = tpu.memref_squeeze %dma_start3A_24 : memref<1x32x144xf32, #tpu.memory_space<vmem>> -> memref<32x144xf32, #tpu.memory_space<vmem>>
    %dma_start3A_26 = arith.constant 0 : i32
    %dma_start3A_27 = tpu.memref_slice %arg8[%dma_start3A_19, %dma_start3A_26] : memref<313x32xi32, #tpu.memory_space<vmem>> -> memref<1x32xi32, #tpu.memory_space<vmem>>
    %dma_start3A_28 = tpu.memref_squeeze %dma_start3A_27 : memref<1x32xi32, #tpu.memory_space<vmem>> -> memref<32xi32, #tpu.memory_space<vmem>>
    %dma_start3A_29 = arith.constant 0 : i32
    %dma_start3A_30 = arith.constant 0 : i32
    %dma_start3A_31 = tpu.memref_slice %arg4[%dma_start3A_29, %dma_start3A_30] : memref<10112x144xf32, #tpu.memory_space<hbm>> -> memref<10112x144xf32, #tpu.memory_space<hbm>>
    %dma_start3A_32 = tpu.memref_slice %arg11[%dma_start3A_21] : memref<4x!tpu.dma_semaphore, #tpu.memory_space<semaphore_mem>> -> memref<1x!tpu.dma_semaphore, #tpu.memory_space<semaphore_mem>>
    %dma_start3A_33 = tpu.memref_squeeze %dma_start3A_32 : memref<1x!tpu.dma_semaphore, #tpu.memory_space<semaphore_mem>> -> memref<!tpu.dma_semaphore, #tpu.memory_space<semaphore_mem>>
    tpu.enqueue_indirect_dma source(%dma_start3A_31 : memref<10112x144xf32, #tpu.memory_space<hbm>>) target(%dma_start3A_25 : memref<32x144xf32, #tpu.memory_space<vmem>>) offsets(%dma_start3A_28 : memref<32xi32, #tpu.memory_space<vmem>>) semaphore(%dma_start3A_33 : memref<!tpu.dma_semaphore, #tpu.memory_space<semaphore_mem>>)
    %dma_start3A_34 = arith.constant 2 : i32
    %dma_start3A_35 = arith.constant 2 : i32
    %dma_start3A_36 = arith.constant 2 : i32
    %dma_start3A_37 = arith.constant 0 : i32
    %dma_start3A_38 = arith.constant 0 : i32
    %dma_start3A_39 = tpu.memref_slice %arg10[%dma_start3A_35, %dma_start3A_37, %dma_start3A_38] : memref<4x32x144xf32, #tpu.memory_space<vmem>> -> memref<1x32x144xf32, #tpu.memory_space<vmem>>
    %dma_start3A_40 = tpu.memref_squeeze %dma_start3A_39 : memref<1x32x144xf32, #tpu.memory_space<vmem>> -> memref<32x144xf32, #tpu.memory_space<vmem>>
    %dma_start3A_41 = arith.constant 0 : i32
    %dma_start3A_42 = tpu.memref_slice %arg8[%dma_start3A_34, %dma_start3A_41] : memref<313x32xi32, #tpu.memory_space<vmem>> -> memref<1x32xi32, #tpu.memory_space<vmem>>
    %dma_start3A_43 = tpu.memref_squeeze %dma_start3A_42 : memref<1x32xi32, #tpu.memory_space<vmem>> -> memref<32xi32, #tpu.memory_space<vmem>>
    %dma_start3A_44 = arith.constant 0 : i32
    %dma_start3A_45 = arith.constant 0 : i32
    %dma_start3A_46 = tpu.memref_slice %arg4[%dma_start3A_44, %dma_start3A_45] : memref<10112x144xf32, #tpu.memory_space<hbm>> -> memref<10112x144xf32, #tpu.memory_space<hbm>>
    %dma_start3A_47 = tpu.memref_slice %arg11[%dma_start3A_36] : memref<4x!tpu.dma_semaphore, #tpu.memory_space<semaphore_mem>> -> memref<1x!tpu.dma_semaphore, #tpu.memory_space<semaphore_mem>>
    %dma_start3A_48 = tpu.memref_squeeze %dma_start3A_47 : memref<1x!tpu.dma_semaphore, #tpu.memory_space<semaphore_mem>> -> memref<!tpu.dma_semaphore, #tpu.memory_space<semaphore_mem>>
    tpu.enqueue_indirect_dma source(%dma_start3A_46 : memref<10112x144xf32, #tpu.memory_space<hbm>>) target(%dma_start3A_40 : memref<32x144xf32, #tpu.memory_space<vmem>>) offsets(%dma_start3A_43 : memref<32xi32, #tpu.memory_space<vmem>>) semaphore(%dma_start3A_48 : memref<!tpu.dma_semaphore, #tpu.memory_space<semaphore_mem>>)
    %scan3A = arith.constant 0 : i32
    %scan3A_49 = arith.constant 0 : i32
    %scan3A_50 = arith.constant 313 : i32
    %scan3A_51 = arith.addi %scan3A_49, %scan3A_50 : i32
    %scan3A_52 = arith.constant 1 : i32
    scf.for %scan3A_59 = %scan3A_49 to %scan3A_51 step %scan3A_52  : i32 {
      %rem3A = arith.constant 4 : i32
      %rem3A_60 = arith.remsi %scan3A_59, %rem3A : i32
      %add3A_61 = arith.constant 4 : i32
      %add3A_62 = arith.addi %scan3A_59, %add3A_61 : i32
      %sub3A = arith.constant 1 : i32
      %sub3A_63 = arith.subi %add3A_62, %sub3A : i32
      %rem3A_64 = arith.constant 4 : i32
      %rem3A_65 = arith.remsi %sub3A_63, %rem3A_64 : i32
      %dma_wait3A = arith.constant 0 : i32
      %dma_wait3A_66 = arith.constant 0 : i32
      %dma_wait3A_67 = tpu.memref_slice %arg10[%rem3A_60, %dma_wait3A, %dma_wait3A_66] : memref<4x32x144xf32, #tpu.memory_space<vmem>> -> memref<1x32x144xf32, #tpu.memory_space<vmem>>
      %dma_wait3A_68 = tpu.memref_squeeze %dma_wait3A_67 : memref<1x32x144xf32, #tpu.memory_space<vmem>> -> memref<32x144xf32, #tpu.memory_space<vmem>>
      %dma_wait3A_69 = arith.constant 0 : i32
      %dma_wait3A_70 = tpu.memref_slice %arg8[%scan3A_59, %dma_wait3A_69] : memref<313x32xi32, #tpu.memory_space<vmem>> -> memref<1x32xi32, #tpu.memory_space<vmem>>
      %dma_wait3A_71 = tpu.memref_squeeze %dma_wait3A_70 : memref<1x32xi32, #tpu.memory_space<vmem>> -> memref<32xi32, #tpu.memory_space<vmem>>
      %dma_wait3A_72 = arith.constant 0 : i32
      %dma_wait3A_73 = arith.constant 0 : i32
      %dma_wait3A_74 = tpu.memref_slice %arg4[%dma_wait3A_72, %dma_wait3A_73] : memref<10112x144xf32, #tpu.memory_space<hbm>> -> memref<10112x144xf32, #tpu.memory_space<hbm>>
      %dma_wait3A_75 = tpu.memref_slice %arg11[%rem3A_60] : memref<4x!tpu.dma_semaphore, #tpu.memory_space<semaphore_mem>> -> memref<1x!tpu.dma_semaphore, #tpu.memory_space<semaphore_mem>>
      %dma_wait3A_76 = tpu.memref_squeeze %dma_wait3A_75 : memref<1x!tpu.dma_semaphore, #tpu.memory_space<semaphore_mem>> -> memref<!tpu.dma_semaphore, #tpu.memory_space<semaphore_mem>>
      tpu.wait_indirect_dma semaphore(%dma_wait3A_76 : memref<!tpu.dma_semaphore, #tpu.memory_space<semaphore_mem>>) src(%dma_wait3A_74 : memref<10112x144xf32, #tpu.memory_space<hbm>>) dst(%dma_wait3A_68 : memref<32x144xf32, #tpu.memory_space<vmem>>)
      %add3A_77 = arith.constant 4 : i32
      %add3A_78 = arith.addi %scan3A_59, %add3A_77 : i32
      %sub3A_79 = arith.constant 1 : i32
      %sub3A_80 = arith.subi %add3A_78, %sub3A_79 : i32
      %lt3A = arith.constant 313 : i32
      %lt3A_81 = arith.cmpi slt, %sub3A_80, %lt3A : i32
      %convert_element_type3A = arith.extui %lt3A_81 : i1 to i32
      %cond3A = arith.constant 0 : i32
      %cond3A_82 = arith.cmpi ne, %convert_element_type3A, %cond3A : i32
      scf.if %cond3A_82 {
        %add3A_83 = arith.constant 4 : i32
        %add3A_84 = arith.addi %scan3A_59, %add3A_83 : i32
        %sub3A_85 = arith.constant 1 : i32
        %sub3A_86 = arith.subi %add3A_84, %sub3A_85 : i32
        %dma_start3A_87 = arith.constant 0 : i32
        %dma_start3A_88 = arith.constant 0 : i32
        %dma_start3A_89 = tpu.memref_slice %arg10[%rem3A_65, %dma_start3A_87, %dma_start3A_88] : memref<4x32x144xf32, #tpu.memory_space<vmem>> -> memref<1x32x144xf32, #tpu.memory_space<vmem>>
        %dma_start3A_90 = tpu.memref_squeeze %dma_start3A_89 : memref<1x32x144xf32, #tpu.memory_space<vmem>> -> memref<32x144xf32, #tpu.memory_space<vmem>>
        %dma_start3A_91 = arith.constant 0 : i32
        %dma_start3A_92 = tpu.memref_slice %arg8[%sub3A_86, %dma_start3A_91] : memref<313x32xi32, #tpu.memory_space<vmem>> -> memref<1x32xi32, #tpu.memory_space<vmem>>
        %dma_start3A_93 = tpu.memref_squeeze %dma_start3A_92 : memref<1x32xi32, #tpu.memory_space<vmem>> -> memref<32xi32, #tpu.memory_space<vmem>>
        %dma_start3A_94 = arith.constant 0 : i32
        %dma_start3A_95 = arith.constant 0 : i32
        %dma_start3A_96 = tpu.memref_slice %arg4[%dma_start3A_94, %dma_start3A_95] : memref<10112x144xf32, #tpu.memory_space<hbm>> -> memref<10112x144xf32, #tpu.memory_space<hbm>>
        %dma_start3A_97 = tpu.memref_slice %arg11[%rem3A_65] : memref<4x!tpu.dma_semaphore, #tpu.memory_space<semaphore_mem>> -> memref<1x!tpu.dma_semaphore, #tpu.memory_space<semaphore_mem>>
        %dma_start3A_98 = tpu.memref_squeeze %dma_start3A_97 : memref<1x!tpu.dma_semaphore, #tpu.memory_space<semaphore_mem>> -> memref<!tpu.dma_semaphore, #tpu.memory_space<semaphore_mem>>
        tpu.enqueue_indirect_dma source(%dma_start3A_96 : memref<10112x144xf32, #tpu.memory_space<hbm>>) target(%dma_start3A_90 : memref<32x144xf32, #tpu.memory_space<vmem>>) offsets(%dma_start3A_93 : memref<32xi32, #tpu.memory_space<vmem>>) semaphore(%dma_start3A_98 : memref<!tpu.dma_semaphore, #tpu.memory_space<semaphore_mem>>)
      } else {
      }
      "tpu.region"() ({
        %run_scoped3A = tpu.sem_alloc : memref<!tpu.dma_semaphore, #tpu.memory_space<semaphore_mem>>
        %dma_start3A_83 = arith.constant 0 : i32
        %dma_start3A_84 = arith.constant 0 : i32
        %dma_start3A_85 = tpu.memref_slice %arg10[%rem3A_60, %dma_start3A_83, %dma_start3A_84] : memref<4x32x144xf32, #tpu.memory_space<vmem>> -> memref<1x32x144xf32, #tpu.memory_space<vmem>>
        %dma_start3A_86 = tpu.memref_squeeze %dma_start3A_85 : memref<1x32x144xf32, #tpu.memory_space<vmem>> -> memref<32x144xf32, #tpu.memory_space<vmem>>
        %dma_start3A_87 = arith.constant 0 : i32
        %dma_start3A_88 = tpu.memref_slice %arg9[%scan3A_59, %dma_start3A_87] : memref<313x32xi32, #tpu.memory_space<vmem>> -> memref<1x32xi32, #tpu.memory_space<vmem>>
        %dma_start3A_89 = tpu.memref_squeeze %dma_start3A_88 : memref<1x32xi32, #tpu.memory_space<vmem>> -> memref<32xi32, #tpu.memory_space<vmem>>
        %dma_start3A_90 = arith.constant 0 : i32
        %dma_start3A_91 = arith.constant 0 : i32
        %dma_start3A_92 = tpu.memref_slice %arg7[%dma_start3A_90, %dma_start3A_91] : memref<10112x144xf32, #tpu.memory_space<vmem_shared>> -> memref<10112x144xf32, #tpu.memory_space<vmem_shared>>
        tpu.enqueue_indirect_dma source(%dma_start3A_86 : memref<32x144xf32, #tpu.memory_space<vmem>>) target(%dma_start3A_92 : memref<10112x144xf32, #tpu.memory_space<vmem_shared>>) offsets(%dma_start3A_89 : memref<32xi32, #tpu.memory_space<vmem>>) semaphore(%run_scoped3A : memref<!tpu.dma_semaphore, #tpu.memory_space<semaphore_mem>>) {add = true}
        %dma_wait3A_93 = arith.constant 0 : i32
        %dma_wait3A_94 = arith.constant 0 : i32
        %dma_wait3A_95 = tpu.memref_slice %arg10[%rem3A_60, %dma_wait3A_93, %dma_wait3A_94] : memref<4x32x144xf32, #tpu.memory_space<vmem>> -> memref<1x32x144xf32, #tpu.memory_space<vmem>>
        %dma_wait3A_96 = tpu.memref_squeeze %dma_wait3A_95 : memref<1x32x144xf32, #tpu.memory_space<vmem>> -> memref<32x144xf32, #tpu.memory_space<vmem>>
        %dma_wait3A_97 = arith.constant 0 : i32
        %dma_wait3A_98 = tpu.memref_slice %arg9[%scan3A_59, %dma_wait3A_97] : memref<313x32xi32, #tpu.memory_space<vmem>> -> memref<1x32xi32, #tpu.memory_space<vmem>>
        %dma_wait3A_99 = tpu.memref_squeeze %dma_wait3A_98 : memref<1x32xi32, #tpu.memory_space<vmem>> -> memref<32xi32, #tpu.memory_space<vmem>>
        %dma_wait3A_100 = arith.constant 0 : i32
        %dma_wait3A_101 = arith.constant 0 : i32
        %dma_wait3A_102 = tpu.memref_slice %arg7[%dma_wait3A_100, %dma_wait3A_101] : memref<10112x144xf32, #tpu.memory_space<vmem_shared>> -> memref<10112x144xf32, #tpu.memory_space<vmem_shared>>
        tpu.wait_indirect_dma semaphore(%run_scoped3A : memref<!tpu.dma_semaphore, #tpu.memory_space<semaphore_mem>>) src(%dma_wait3A_96 : memref<32x144xf32, #tpu.memory_space<vmem>>) dst(%dma_wait3A_102 : memref<10112x144xf32, #tpu.memory_space<vmem_shared>>)
        tpu.yield
      }) : () -> ()
    }
    %scan3A_53 = arith.constant 313 : i32
    %barrier3A_54 = arith.constant 0 : index
    tpu.barrier barrier_id(%barrier3A_54)
    %mul3A_55 = arith.constant 632 : i32
    %mul3A_56 = arith.muli %arg1, %mul3A_55 : i32
    %mul3A_57 = arith.constant 632 : i32
    %mul3A_58 = arith.muli %arg1, %mul3A_57 : i32
    "tpu.region"() ({
      %run_scoped3A = tpu.sem_alloc : memref<!tpu.dma_semaphore, #tpu.memory_space<semaphore_mem>>
      %dma_start3A_59 = arith.constant 0 : i32
      %dma_start3A_60 = tpu.memref_slice %arg6[%arg0, %mul3A_58, %dma_start3A_59] : memref<2x10112x144xf32, #tpu.memory_space<hbm>> -> memref<1x632x144xf32, #tpu.memory_space<hbm>>
      %dma_start3A_61 = tpu.memref_squeeze %dma_start3A_60 : memref<1x632x144xf32, #tpu.memory_space<hbm>> -> memref<632x144xf32, #tpu.memory_space<hbm>>
      %dma_start3A_62 = arith.constant 0 : i32
      %dma_start3A_63 = tpu.memref_slice %arg7[%mul3A_56, %dma_start3A_62] : memref<10112x144xf32, #tpu.memory_space<vmem_shared>> -> memref<632x144xf32, #tpu.memory_space<vmem_shared>>
      tpu.enqueue_dma source(%dma_start3A_63 : memref<632x144xf32, #tpu.memory_space<vmem_shared>>) target(%dma_start3A_61 : memref<632x144xf32, #tpu.memory_space<hbm>>) target_semaphore(%run_scoped3A : memref<!tpu.dma_semaphore, #tpu.memory_space<semaphore_mem>>)
      %dma_wait3A = arith.constant 0 : i32
      %dma_wait3A_64 = tpu.memref_slice %arg6[%arg0, %mul3A_58, %dma_wait3A] : memref<2x10112x144xf32, #tpu.memory_space<hbm>> -> memref<1x632x144xf32, #tpu.memory_space<hbm>>
      %dma_wait3A_65 = tpu.memref_squeeze %dma_wait3A_64 : memref<1x632x144xf32, #tpu.memory_space<hbm>> -> memref<632x144xf32, #tpu.memory_space<hbm>>
      %dma_wait3A_66 = arith.constant 0 : i32
      %dma_wait3A_67 = tpu.memref_slice %arg7[%mul3A_56, %dma_wait3A_66] : memref<10112x144xf32, #tpu.memory_space<vmem_shared>> -> memref<632x144xf32, #tpu.memory_space<vmem_shared>>
      tpu.wait_dma2 semaphore(%run_scoped3A : memref<!tpu.dma_semaphore, #tpu.memory_space<semaphore_mem>>) src(%dma_wait3A_67 : memref<632x144xf32, #tpu.memory_space<vmem_shared>>) dst(%dma_wait3A_65 : memref<632x144xf32, #tpu.memory_space<hbm>>)
      tpu.yield
    }) : () -> ()
    return
  }
}

module attributes {stable_mosaic.version = 14 : i64} {
  func.func @_tc_in_body(%arg0: memref<10000x128xf32, #tpu.memory_space<vmem>>, %arg1: memref<128x128xf32, #tpu.memory_space<vmem>>, %arg2: memref<10112x144xf32, #tpu.memory_space<vmem>>) attributes {dimension_semantics = [], scalar_prefetch = 0 : i64, scratch_operands = 0 : i64, tpu.core_type = #tpu.core_type<tc>} {
    %get3A = arith.constant 0 : index
    %get3A_0 = arith.constant 0 : index
    %get3A_1 = vector.load %arg0[%get3A, %get3A_0] : memref<10000x128xf32, #tpu.memory_space<vmem>>, vector<10000x128xf32>
    %get3A_2 = arith.constant 0 : index
    %get3A_3 = arith.constant 0 : index
    %get3A_4 = vector.load %arg1[%get3A_2, %get3A_3] : memref<128x128xf32, #tpu.memory_space<vmem>>, vector<128x128xf32>
    %dot_general3A = arith.constant dense<0.000000e+00> : vector<10000x128xf32>
    %dot_general3A_5 = tpu.matmul %get3A_1, %get3A_4, %dot_general3A {dimension_numbers = #tpu.dot_dimension_numbers<[1], [0], [0], [1], [0, 0, 1, 1], [], []>, transpose_lhs_hint = false} : vector<10000x128xf32>, vector<128x128xf32>, vector<10000x128xf32> -> vector<10000x128xf32>
    %iota3A = tpu.iota {dimensions = array<i32: 1>} : vector<10000x16xi32>
    %eq3A = arith.constant 0 : i32
    %eq3A_6 = vector.broadcast %eq3A : i32 to vector<10000x16xi32>
    %eq3A_7 = arith.cmpi eq, %iota3A, %eq3A_6 : vector<10000x16xi32>
    %jit3A = arith.constant 1.000000e+00 : f32
    %jit3A_8 = arith.constant 0.000000e+00 : f32
    %broadcast_in_dim3A = vector.broadcast %jit3A : f32 to vector<10000x16xf32>
    %broadcast_in_dim3A_9 = vector.broadcast %jit3A_8 : f32 to vector<10000x16xf32>
    %select_n3A = arith.select %eq3A_7, %broadcast_in_dim3A, %broadcast_in_dim3A_9 : vector<10000x16xi1>, vector<10000x16xf32>
    %concatenate3A = tpu.concatenate %dot_general3A_5, %select_n3A in 1 : vector<10000x128xf32>, vector<10000x16xf32> -> vector<10000x144xf32>
    %broadcast_in_dim3A_10 = arith.constant 0.000000e+00 : f32
    %broadcast_in_dim3A_11 = vector.broadcast %broadcast_in_dim3A_10 : f32 to vector<112x144xf32>
    %concatenate3A_12 = tpu.concatenate %concatenate3A, %broadcast_in_dim3A_11 in 0 : vector<10000x144xf32>, vector<112x144xf32> -> vector<10112x144xf32>
    %swap3A = arith.constant 0 : index
    %swap3A_13 = arith.constant 0 : index
    %swap3A_14 = vector.load %arg2[%swap3A, %swap3A_13] : memref<10112x144xf32, #tpu.memory_space<vmem>>, vector<10112x144xf32>
    tpu.vector_store %arg2[%swap3A, %swap3A_13], %concatenate3A_12 {strides = array<i32>} : memref<10112x144xf32, #tpu.memory_space<vmem>>, vector<10112x144xf32>,
    return
  }
}

module attributes {stable_mosaic.version = 14 : i64} {
  func.func @_tc_scale_body(%arg0: memref<2x10112x144xf32, #tpu.memory_space<vmem>>, %arg1: memref<10112x144xf32, #tpu.memory_space<vmem>>) attributes {dimension_semantics = [], scalar_prefetch = 0 : i64, scratch_operands = 0 : i64, tpu.core_type = #tpu.core_type<tc>} {
    %get3A = arith.constant 0 : index
    %get3A_0 = arith.constant 0 : index
    %get3A_1 = arith.constant 0 : index
    %get3A_2 = vector.load %arg0[%get3A, %get3A_0, %get3A_1] : memref<2x10112x144xf32, #tpu.memory_space<vmem>>, vector<1x10112x144xf32>
    %get3A_3 = vector.shape_cast %get3A_2 : vector<1x10112x144xf32> to vector<10112x144xf32>
    %get3A_4 = arith.constant 1 : index
    %get3A_5 = arith.constant 0 : index
    %get3A_6 = arith.constant 0 : index
    %get3A_7 = vector.load %arg0[%get3A_4, %get3A_5, %get3A_6] : memref<2x10112x144xf32, #tpu.memory_space<vmem>>, vector<1x10112x144xf32>
    %get3A_8 = vector.shape_cast %get3A_7 : vector<1x10112x144xf32> to vector<10112x144xf32>
    %add3A = arith.addf %get3A_3, %get3A_8 : vector<10112x144xf32>
    %slice3A = vector.extract_strided_slice %add3A {offsets = [0, 128], sizes = [10112, 1], strides = [1, 1]} : vector<10112x144xf32> to vector<10112x1xf32>
    %gt3A = arith.constant 0.000000e+00 : f32
    %gt3A_9 = vector.broadcast %gt3A : f32 to vector<10112x1xf32>
    %gt3A_10 = arith.cmpf ogt, %slice3A, %gt3A_9 : vector<10112x1xf32>
    %div3A = arith.constant 1.000000e+00 : f32
    %div3A_11 = vector.broadcast %div3A : f32 to vector<10112x1xf32>
    %div3A_12 = arith.divf %div3A_11, %slice3A : vector<10112x1xf32>
    %jit3A = arith.constant 0.000000e+00 : f32
    %broadcast_in_dim3A = vector.broadcast %jit3A : f32 to vector<10112x1xf32>
    %select_n3A = arith.select %gt3A_10, %div3A_12, %broadcast_in_dim3A : vector<10112x1xi1>, vector<10112x1xf32>
    %mul3A = vector.broadcast %select_n3A : vector<10112x1xf32> to vector<10112x144xf32>
    %mul3A_13 = arith.mulf %add3A, %mul3A : vector<10112x144xf32>
    %swap3A = arith.constant 0 : index
    %swap3A_14 = arith.constant 0 : index
    %swap3A_15 = vector.load %arg1[%swap3A, %swap3A_14] : memref<10112x144xf32, #tpu.memory_space<vmem>>, vector<10112x144xf32>
    tpu.vector_store %arg1[%swap3A, %swap3A_14], %mul3A_13 {strides = array<i32>} : memref<10112x144xf32, #tpu.memory_space<vmem>>, vector<10112x144xf32>,
    return
  }
}

module attributes {stable_mosaic.version = 14 : i64} {
  func.func @_tc_mid_body(%arg0: memref<2x10112x144xf32, #tpu.memory_space<vmem>>, %arg1: memref<128xf32, #tpu.memory_space<vmem>>, %arg2: memref<128x128xf32, #tpu.memory_space<vmem>>, %arg3: memref<10112x144xf32, #tpu.memory_space<vmem>>) attributes {dimension_semantics = [], scalar_prefetch = 0 : i64, scratch_operands = 0 : i64, tpu.core_type = #tpu.core_type<tc>} {
    %get3A = arith.constant 0 : index
    %get3A_0 = arith.constant 0 : index
    %get3A_1 = arith.constant 0 : index
    %get3A_2 = vector.load %arg0[%get3A, %get3A_0, %get3A_1] : memref<2x10112x144xf32, #tpu.memory_space<vmem>>, vector<1x10112x144xf32>
    %get3A_3 = vector.shape_cast %get3A_2 : vector<1x10112x144xf32> to vector<10112x144xf32>
    %get3A_4 = arith.constant 1 : index
    %get3A_5 = arith.constant 0 : index
    %get3A_6 = arith.constant 0 : index
    %get3A_7 = vector.load %arg0[%get3A_4, %get3A_5, %get3A_6] : memref<2x10112x144xf32, #tpu.memory_space<vmem>>, vector<1x10112x144xf32>
    %get3A_8 = vector.shape_cast %get3A_7 : vector<1x10112x144xf32> to vector<10112x144xf32>
    %add3A = arith.addf %get3A_3, %get3A_8 : vector<10112x144xf32>
    %slice3A = vector.extract_strided_slice %add3A {offsets = [0, 128], sizes = [10112, 1], strides = [1, 1]} : vector<10112x144xf32> to vector<10112x1xf32>
    %gt3A = arith.constant 0.000000e+00 : f32
    %gt3A_9 = vector.broadcast %gt3A : f32 to vector<10112x1xf32>
    %gt3A_10 = arith.cmpf ogt, %slice3A, %gt3A_9 : vector<10112x1xf32>
    %div3A = arith.constant 1.000000e+00 : f32
    %div3A_11 = vector.broadcast %div3A : f32 to vector<10112x1xf32>
    %div3A_12 = arith.divf %div3A_11, %slice3A : vector<10112x1xf32>
    %jit3A = arith.constant 0.000000e+00 : f32
    %broadcast_in_dim3A = vector.broadcast %jit3A : f32 to vector<10112x1xf32>
    %select_n3A = arith.select %gt3A_10, %div3A_12, %broadcast_in_dim3A : vector<10112x1xi1>, vector<10112x1xf32>
    %slice3A_13 = vector.extract_strided_slice %add3A {offsets = [0, 0], sizes = [10112, 128], strides = [1, 1]} : vector<10112x144xf32> to vector<10112x128xf32>
    %mul3A = vector.broadcast %select_n3A : vector<10112x1xf32> to vector<10112x128xf32>
    %mul3A_14 = arith.mulf %slice3A_13, %mul3A : vector<10112x128xf32>
    %get3A_15 = arith.constant 0 : index
    %get3A_16 = vector.load %arg1[%get3A_15] : memref<128xf32, #tpu.memory_space<vmem>>, vector<128xf32>
    %broadcast_in_dim3A_17 = vector.shape_cast %get3A_16 : vector<128xf32> to vector<1x128xf32>
    %add3A_18 = vector.broadcast %broadcast_in_dim3A_17 : vector<1x128xf32> to vector<10112x128xf32>
    %add3A_19 = arith.addf %mul3A_14, %add3A_18 : vector<10112x128xf32>
    %max3A = arith.constant 0.000000e+00 : f32
    %max3A_20 = vector.broadcast %max3A : f32 to vector<10112x128xf32>
    %max3A_21 = arith.maximumf %add3A_19, %max3A_20 : vector<10112x128xf32>
    %get3A_22 = arith.constant 0 : index
    %get3A_23 = arith.constant 0 : index
    %get3A_24 = vector.load %arg2[%get3A_22, %get3A_23] : memref<128x128xf32, #tpu.memory_space<vmem>>, vector<128x128xf32>
    %dot_general3A = arith.constant dense<0.000000e+00> : vector<10112x128xf32>
    %dot_general3A_25 = tpu.matmul %max3A_21, %get3A_24, %dot_general3A {dimension_numbers = #tpu.dot_dimension_numbers<[1], [0], [0], [1], [0, 0, 1, 1], [], []>, transpose_lhs_hint = false} : vector<10112x128xf32>, vector<128x128xf32>, vector<10112x128xf32> -> vector<10112x128xf32>
    %iota3A = tpu.iota {dimensions = array<i32: 1>} : vector<10112x16xi32>
    %eq3A = arith.constant 0 : i32
    %eq3A_26 = vector.broadcast %eq3A : i32 to vector<10112x16xi32>
    %eq3A_27 = arith.cmpi eq, %iota3A, %eq3A_26 : vector<10112x16xi32>
    %jit3A_28 = arith.constant 1.000000e+00 : f32
    %jit3A_29 = arith.constant 0.000000e+00 : f32
    %broadcast_in_dim3A_30 = vector.broadcast %jit3A_28 : f32 to vector<10112x16xf32>
    %broadcast_in_dim3A_31 = vector.broadcast %jit3A_29 : f32 to vector<10112x16xf32>
    %select_n3A_32 = arith.select %eq3A_27, %broadcast_in_dim3A_30, %broadcast_in_dim3A_31 : vector<10112x16xi1>, vector<10112x16xf32>
    %concatenate3A = tpu.concatenate %dot_general3A_25, %select_n3A_32 in 1 : vector<10112x128xf32>, vector<10112x16xf32> -> vector<10112x144xf32>
    %swap3A = arith.constant 0 : index
    %swap3A_33 = arith.constant 0 : index
    %swap3A_34 = vector.load %arg3[%swap3A, %swap3A_33] : memref<10112x144xf32, #tpu.memory_space<vmem>>, vector<10112x144xf32>
    tpu.vector_store %arg3[%swap3A, %swap3A_33], %concatenate3A {strides = array<i32>} : memref<10112x144xf32, #tpu.memory_space<vmem>>, vector<10112x144xf32>,
    return
  }
}

module attributes {stable_mosaic.version = 14 : i64} {
  func.func @_tc_out_body(%arg0: memref<2x10112x144xf32, #tpu.memory_space<vmem>>, %arg1: memref<128xf32, #tpu.memory_space<vmem>>, %arg2: memref<10000x128xf32, #tpu.memory_space<vmem>>) attributes {dimension_semantics = [], scalar_prefetch = 0 : i64, scratch_operands = 0 : i64, tpu.core_type = #tpu.core_type<tc>} {
    %get3A = arith.constant 0 : index
    %get3A_0 = arith.constant 0 : index
    %get3A_1 = arith.constant 0 : index
    %get3A_2 = vector.load %arg0[%get3A, %get3A_0, %get3A_1] : memref<2x10112x144xf32, #tpu.memory_space<vmem>>, vector<1x10112x144xf32>
    %get3A_3 = vector.shape_cast %get3A_2 : vector<1x10112x144xf32> to vector<10112x144xf32>
    %get3A_4 = arith.constant 1 : index
    %get3A_5 = arith.constant 0 : index
    %get3A_6 = arith.constant 0 : index
    %get3A_7 = vector.load %arg0[%get3A_4, %get3A_5, %get3A_6] : memref<2x10112x144xf32, #tpu.memory_space<vmem>>, vector<1x10112x144xf32>
    %get3A_8 = vector.shape_cast %get3A_7 : vector<1x10112x144xf32> to vector<10112x144xf32>
    %add3A = arith.addf %get3A_3, %get3A_8 : vector<10112x144xf32>
    %slice3A = vector.extract_strided_slice %add3A {offsets = [0, 128], sizes = [10112, 1], strides = [1, 1]} : vector<10112x144xf32> to vector<10112x1xf32>
    %gt3A = arith.constant 0.000000e+00 : f32
    %gt3A_9 = vector.broadcast %gt3A : f32 to vector<10112x1xf32>
    %gt3A_10 = arith.cmpf ogt, %slice3A, %gt3A_9 : vector<10112x1xf32>
    %div3A = arith.constant 1.000000e+00 : f32
    %div3A_11 = vector.broadcast %div3A : f32 to vector<10112x1xf32>
    %div3A_12 = arith.divf %div3A_11, %slice3A : vector<10112x1xf32>
    %jit3A = arith.constant 0.000000e+00 : f32
    %broadcast_in_dim3A = vector.broadcast %jit3A : f32 to vector<10112x1xf32>
    %select_n3A = arith.select %gt3A_10, %div3A_12, %broadcast_in_dim3A : vector<10112x1xi1>, vector<10112x1xf32>
    %slice3A_13 = vector.extract_strided_slice %add3A {offsets = [0, 0], sizes = [10000, 128], strides = [1, 1]} : vector<10112x144xf32> to vector<10000x128xf32>
    %slice3A_14 = vector.extract_strided_slice %select_n3A {offsets = [0, 0], sizes = [10000, 1], strides = [1, 1]} : vector<10112x1xf32> to vector<10000x1xf32>
    %mul3A = vector.broadcast %slice3A_14 : vector<10000x1xf32> to vector<10000x128xf32>
    %mul3A_15 = arith.mulf %slice3A_13, %mul3A : vector<10000x128xf32>
    %get3A_16 = arith.constant 0 : index
    %get3A_17 = vector.load %arg1[%get3A_16] : memref<128xf32, #tpu.memory_space<vmem>>, vector<128xf32>
    %broadcast_in_dim3A_18 = vector.shape_cast %get3A_17 : vector<128xf32> to vector<1x128xf32>
    %add3A_19 = vector.broadcast %broadcast_in_dim3A_18 : vector<1x128xf32> to vector<10000x128xf32>
    %add3A_20 = arith.addf %mul3A_15, %add3A_19 : vector<10000x128xf32>
    %swap3A = arith.constant 0 : index
    %swap3A_21 = arith.constant 0 : index
    %swap3A_22 = vector.load %arg2[%swap3A, %swap3A_21] : memref<10000x128xf32, #tpu.memory_space<vmem>>, vector<10000x128xf32>
    tpu.vector_store %arg2[%swap3A, %swap3A_21], %add3A_20 {strides = array<i32>} : memref<10000x128xf32, #tpu.memory_space<vmem>>, vector<10000x128xf32>,
    return
  }
}

</mosaic_0001>

<sc_bundles>
// kernel: kernel.11.cloned.1.call-start
scs
__scs_entry_jumppad:
0x0: {  	(pc) =	sbr.rel $0x88, $3  }
0x1: {  	(tag) =	ssettag $0x0;
	lr =	simm.s32 $0x1  }
0x2: {  	[smem:$0x3F9B] =	sst lr;
	_ =	strace $0xD0000000  }
0x3: {  	_ = 	snop  }
0x4: {  	_ = 	snop  }
0x5: {  	_ = 	snop  }
0x6: {  	_ = 	snop  }
0x7: {  	_ = 	snop  }
__scs_overlays_trampoline_lowered:
0x8: {  	[smem:$0x3FAA] =	sst s0  }
0x9: {  	[smem:$0x3FAB] =	sst s1  }
0xa: {  	[smem:$0x3FAC] =	sst s2  }
0xb: {  	[smem:$0x3FAD] =	sst s3  }
0xc: {  	[smem:$0x3FAE] =	sst s4  }
0xd: {  	[smem:$0x3FAF] =	sst s5  }
0xe: {  	[smem:$0x3FB0] =	sst s6  }
0xf: {  	[smem:$0x3FB1] =	sst s7  }
0x10: {  	[smem:$0x3FB2] =	sst s8  }
0x11: {  	[smem:$0x3FB3] =	sst s9;
	s0 =	simm.s32 @!p0 $0x0  }
0x12: {  	s1 =	sld [smem:$0x3F99];
	s0 =	simm.s32 @p0 $0x1  }
0x13: {  	[smem:$0x3FB4] =	sst s0;
	s0 =	simm.s32 @!p1 $0x0  }
0x14: {  	s2 =	sld [smem:$0x3F98];
	s0 =	simm.s32 @p1 $0x1  }
0x15: {  	[smem:$0x3FB5] =	sst s0;
	s0 =	simm.s32 @!p2 $0x0  }
0x16: {  	s3 =	sld [smem:$0x3FDB];
	s0 =	simm.s32 @p2 $0x1  }
0x17: {  	s4 =	simm.s32 $0x1BF5;
	[smem:$0x3FB7] =	sst s0  }
0x18: {  	s0 =	sld [smem:$0x3F9A];
	_ =	swait.ge [sflag:s4], $0x0  }
0x19: {  	s7 =	sld [smem:$0x3F9B]  }
0x1a: {  	s8 =	sadd.s32 $0xFFFFE003, lr  }
0x1b: {  	s9 =	sadd.s32 $0xFFFFFEF7, lr;
	s5 =	simm.s32 $0xFFFFFFFF;
	p2 =	slt.u32 s8, $0xFFFFF086  }
0x1c: {  	p1 =	slt.u32 s9, $0xF7A;
	s5 =	simm.s32 @!p2 $0x0  }
0x1d: {  	s5 =	simm.s32 @p1 $0x1;
	p0 =	seq.s32 s7, s2  }
0x1e: {  	s7 =	smul.u32 @!p0 $0xF7A, s2;
	p2 =	seq.s32 @!p0 s5, $0x0  }
0x1f: {  	s9 =	smul.u32 $0xF7A, s1;
	s8 =	simm.s32 @!p0 $0x1BF5;
	p2 =	por !p2, p0  }
0x20: {  	[sflag:s8] =	ssyncset.s32 @!p0 $0xFFFFF086;
	s6 =	sadd.s32 @!p0 s3, s7;
	s7 =	simm.s32 @!p0 $0x108  }
0x21: {  	s3 =	sadd.s32 s3, s9;
	s6 =	sadd.s32 @!p0 $0x88, s6;
	s7 =	simm.s32 @p2 $0x1082  }
0x22: {  	[simem:s7], [sflag:s8] =	dma.local @!p0 [hbm:s6], $0xF7A  }
0x23: {  	s9 =	sor.u32 $0xD0000000, s2;
	s6 =	simm.s32 $0x108;
	_ =	swait.ge @!p0 [sflag:s8], $0x0  }
0x24: {  	s3 =	sadd.s32 $0x88, s3;
	s6 =	simm.s32 @!p1 $0x1082;
	[sflag:s4] =	ssyncset.s32 $0xFFFFF086  }
0x25: {  	[simem:s6], [sflag:s4] =	dma.local [hbm:s3], $0xF7A  }
0x26: {  	[smem:$0x3F9B] =	sst s1;
	(tag) =	ssettag s2;
	_ =	strace s9  }
0x27: {  	s1 =	sld [smem:$0x3FAB]  }
0x28: {  	s2 =	sld [smem:$0x3FAC]  }
0x29: {  	s4 =	sld [smem:$0x3FAE]  }
0x2a: {  	p0 =	seq.s32 s5, $0x0;
	s5 =	sld [smem:$0x3FAF]  }
0x2b: {  	s6 =	sld [smem:$0x3FB0]  }
0x2c: {  	s7 =	sld [smem:$0x3FB1]  }
0x2d: {  	s3 =	simm.s32 $0x108;
	s8 =	sld [smem:$0x3FB2]  }
0x2e: {  	s3 =	simm.s32 @!p0 $0x1082;
	s9 =	sld [smem:$0x3FB3]  }
0x2f: {  	lr =	sadd.s32 s0, s3;
	s0 =	sld [smem:$0x3FAA]  }
0x30: {  	s3 =	sld [smem:$0x3FAD]  }
0x31: {  	[smem:$0x3FB6] =	sst s10  }
0x32: {  	s10 =	sld [smem:$0x3FB4];
	_ =	sdelay $0x3  }
0x33: {  	p0 =	seq.s32 s10, $0x1;
	s10 =	sld [smem:$0x3FB6];
	_ =	sdelay $0x3  }
0x34: {  	[smem:$0x3FB6] =	sst s10  }
0x35: {  	s10 =	sld [smem:$0x3FB5];
	_ =	sdelay $0x3  }
0x36: {  	p1 =	seq.s32 s10, $0x1;
	s10 =	sld [smem:$0x3FB6];
	_ =	sdelay $0x3  }
0x37: {  	[smem:$0x3FB6] =	sst s10  }
0x38: {  	s10 =	sld [smem:$0x3FB7]  }
0x39: {  	_ = 	snop;
	(pc) =	sbr.ind lr, $3  }
0x3a: {  	_ = 	snop  }
0x3b: {  	_ = 	snop  }
0x3c: {  	p2 =	seq.s32 s10, $0x1;
	s10 =	sld [smem:$0x3FB6]  }
0x3d: {  	_ =	shalt  }
0x3e: {  	_ =	shalt  }
0x3f: {  	_ =	shalt  }
0x40: {  	_ =	shalt  }
0x41: {  	_ =	shalt  }
0x42: {  	_ =	shalt  }
0x43: {  	_ =	shalt  }
0x44: {  	_ =	shalt  }
0x45: {  	_ =	shalt  }
0x46: {  	_ =	shalt  }
0x47: {  	_ =	shalt  }
0x48: {  	_ =	shalt  }
0x49: {  	_ =	shalt  }
0x4a: {  	_ =	shalt  }
0x4b: {  	_ =	shalt  }
0x4c: {  	_ =	shalt  }
0x4d: {  	_ =	shalt  }
0x4e: {  	_ =	shalt  }
0x4f: {  	_ =	shalt  }
0x50: {  	_ =	shalt  }
0x51: {  	_ =	shalt  }
0x52: {  	_ =	shalt  }
0x53: {  	_ =	shalt  }
0x54: {  	_ =	shalt  }
0x55: {  	_ =	shalt  }
0x56: {  	_ =	shalt  }
0x57: {  	_ =	shalt  }
0x58: {  	_ =	shalt  }
0x59: {  	_ =	shalt  }
0x5a: {  	_ =	shalt  }
0x5b: {  	_ =	shalt  }
0x5c: {  	_ =	shalt  }
0x5d: {  	_ =	shalt  }
0x5e: {  	_ =	shalt  }
0x5f: {  	_ =	shalt  }
0x60: {  	_ =	shalt  }
0x61: {  	_ =	shalt  }
0x62: {  	_ =	shalt  }
0x63: {  	_ =	shalt  }
0x64: {  	_ =	shalt  }
0x65: {  	_ =	shalt  }
0x66: {  	_ =	shalt  }
0x67: {  	_ =	shalt  }
0x68: {  	_ =	shalt  }
0x69: {  	_ =	shalt  }
0x6a: {  	_ =	shalt  }
0x6b: {  	_ =	shalt  }
0x6c: {  	_ =	shalt  }
0x6d: {  	_ =	shalt  }
0x6e: {  	_ =	shalt  }
0x6f: {  	_ =	shalt  }
0x70: {  	_ =	shalt  }
0x71: {  	_ =	shalt  }
0x72: {  	_ =	shalt  }
0x73: {  	_ =	shalt  }
0x74: {  	_ =	shalt  }
0x75: {  	_ =	shalt  }
0x76: {  	_ =	shalt  }
0x77: {  	_ =	shalt  }
0x78: {  	_ =	shalt  }
0x79: {  	_ =	shalt  }
0x7a: {  	_ =	shalt  }
0x7b: {  	_ =	shalt  }
0x7c: {  	_ =	shalt  }
0x7d: {  	_ =	shalt  }
0x7e: {  	_ =	shalt  }
0x7f: {  	_ =	shalt  }
0x80: {  	_ =	shalt  }
0x81: {  	_ =	shalt  }
0x82: {  	_ =	shalt  }
0x83: {  	_ =	shalt  }
0x84: {  	_ =	shalt  }
0x85: {  	_ =	shalt  }
0x86: {  	_ =	shalt  }
0x87: {  	_ =	shalt  }
.Lfunc_end0:
.L_simem_size_0:
called_computation_lowered:
.L_overlay_start_0:
0x88: {  	s2 =	sld [smem:$0x3FD9]  }
0x89: {  	s3 =	sld [smem:$0x3FFE];
	_ =	sdelay $0x1  }
0x8a: {  	s1 =	srdreg.scid  }
0x8b: {  	s0 =	sand.u32 $0x1, s1  }
0x8c: {  	s17 =	sshll.u32 s0, $0xA;
	s2 =	sadd.s32 s3, s2  }
0x8d: {  	s2 =	sadd.s32 s2, s17  }
0x8e: {  	[smem:$0x3FC2] =	sst s2  }
0x8f: {  	_ = 	snop  }
0x90: {  	s2 =	sld [smem:$0x3FD0];
	(tm) =	ssettm $0x1  }
0x91: {  	s18 =	sld [smem:$0x3FFB];
	_ =	sdelay $0x3  }
0x92: {  	_ =	strace s18  }
0x93: {  	s3 =	sld [smem:$0x3FFC];
	_ =	sdelay $0x3  }
0x94: {  	_ =	strace s3  }
0x95: {  	s3 =	sld [smem:$0x3FFD];
	_ =	sdelay $0x3  }
0x96: {  	_ =	strace s3  }
0x97: {  	_ =	strace $0x8FFFFFFF  }
0x98: {  	s19 =	sld [smem:$0x3FDB];
	_ =	sdelay $0x1  }
0x99: {  	s4 =	simm.s32 $_scs_section_size  }
0x9a: {  	s5 =	simm.s32 $_size__tile_overlayer_lowered;
	s6 =	simm.s32 $_tile_overlayer_lowered  }
0x9b: {  	s22 =	simm.s32 $0x1BFF;
	s21 =	sshll.u32 s6, $0x1;
	s3 =	sadd.s32 s4, s19  }
0x9c: {  	s7 =	simm.s32 $0x0;
	s20 =	sshll.u32 s5, $0x1;
	s5 =	sadd.s32 s21, s3  }
0x9d: {  	[timem:s7], [sflag:s22] =	dma.local [hbm:s5], s20  }
0x9e: {  	_ =	swait.ge [sflag:s22], s20  }
0x9f: {  	s4 =	ssub.s32 $0x0, s20;
	[sflag:s22] =	ssyncset.done $0x0  }
0xa0: {  	[sflag:s22] =	ssyncadd.s32 s4;
	_ =	sdelay $0x1  }
0xa1: {  	s23 =	simm.s32 $0x1B8B  }
0xa2: {  	_ =	swait.ge [sflag:s23], $0x1  }
0xa3: {  	[sflag:s23] =	ssyncset.done $0x0  }
0xa4: {  	s25 =	simm.s32 $0x1B8E;
	s24 =	sld [smem:$0x3FFE];
	[sflag:s23] =	ssyncadd.s32 $0xFFFFFFFF  }
0xa5: {  	s26 =	simm.s32 $execute0_lowered;
	[smem:$0x3FD2] =	sst s25  }
0xa6: {  	s5 =	sshll.u32 s26, $0x1;
	_ =	strace $0x80000046;
	[dreg:$0x1] =	wrdreg $0xFFFFFFFF  }
0xa7: {  	s28 =	simm.s32 $_size_execute0_lowered;
	s3 =	sadd.s32 s3, s5;
	[dreg:$0x0] =	wrdreg $0x0  }
0xa8: {  	s5 =	sshll.u32 s28, $0x1;
	[dreg:$0x2] =	wrdreg s3  }
0xa9: {  	[dreg:$0x3] =	wrdreg s5  }
0xaa: {  	[dreg:$0x4] =	wrdreg $0xC0  }
0xab: {  	_ =	task [dreg:s7], $0x5FFFF  }
0xac: {  	[dreg:$0x1] =	wrdreg $0xFFFFFFFF  }
0xad: {  	[dreg:$0x0] =	wrdreg $0x60  }
0xae: {  	[dreg:$0x2] =	wrdreg s24  }
0xaf: {  	[dreg:$0x3] =	wrdreg s2  }
0xb0: {  	[dreg:$0x4] =	wrdreg $0x0  }
0xb1: {  	[dreg:$0x5] =	wrdreg $0x9  }
0xb2: {  	_ =	task.clear_ibuf [dreg:s7], $0x6FFFF;
	_ =	strace $0x90000046  }
0xb3: {  	s29 =	simm.s32 $0x9;
	_ =	strace $0x80000048  }
0xb4: {  	_ =	swait.ge [sflag:s29], $0x1  }
0xb5: {  	[sflag:s29] =	ssyncadd.s32 $0xFFFFFFFF  }
0xb6: {  	_ =	strace $0x90000048  }
0xb7: {  	_ =	sfence  }
0xb8: {  	s30 =	sld [smem:$0x0];
	_ =	sdelay $0x2  }
0xb9: {  	s31 =	sshll.u32 s1, $0xD;
	s1 =	sshrl.u32 s1, $0x2  }
0xba: {  	s3 =	sand.u32 $0x4000, s31;
	s1 =	sadd.s32 s1, s30  }
0xbb: {  	s0 =	sor.u32 s3, s0;
	s1 =	sshll.u32 s1, $0x11  }
0xbc: {  	s0 =	sor.u32 s1, s0  }
0xbd: {  	s0 =	sadd.s32 $0x8F2B, s0  }
0xbe: {  	[sflag:s0] =	ssyncadd.remote.s32 $0x1  }
0xbf: {  	_ =	sfence.sel $0xFFFF  }
0xc0: {  	[dreg:$0x0] =	wrdreg $0xFFFFFFFF;
	(pc) =	sbr.abs _section_cstart, $3  }
0xc1: {  	[dreg:$0x1] =	wrdreg $0xFFFFFFFF  }
0xc2: {  	_ =	task.clear_ibuf [dreg:s7], $0x2FFFF;
	_ =	strace $0x9FFFFFFF  }
0xc3: {  	(tm) =	ssettm $0x7FFFFFFF  }
tec
execute0_lowered:
.L_overlay_start_1:
0x0: {  	(tag) =	ssettag $0x1  }
0x1: {  	s1 =	srdreg.scid;
	s5 =	rddreg [dreg:$0x0]  }
0x2: {  	s0 =	stileid.u32;
	s8 =	rddreg [dreg:$0x1]  }
0x3: {  	s2 =	rddreg [dreg:$0x2];
	s3 =	simm.s32 $0x0;
	s15 =	simm.s32 $0x1B1C0  }
0x4: {  	s16 =	simm.s32 $0x163A0;
	s17 =	simm.s32 $0x1C3C0;
	s18 =	simm.s32 $0x163C0  }
0x5: {  	s19 =	simm.s32 $0x1D5C0;
	s20 =	simm.s32 $0x0;
	s6 =	sand.u32 $0x1, s1  }
0x6: {  	s30 =	sshll.u32 s0, $0x1;
	s7 =	smul.u32 $0x16380, s0;
	[smem:$0x7FF] =	sst s3  }
0x7: {  	s4 =	sadd.s32 $0xB000, s5;
	s1 =	sor.u32 s6, s30;
	s10 =	smul.u32 $0x163800, s6  }
0x8: {  	s31 =	sshll.u32 s0, $0x6;
	s6 =	ssub.s32 $0x2, s6;
	s9 =	smul.u32 $0x4E4, s1  }
0x9: {  	s1 =	rddreg [dreg:$0x3];
	_ =	strace $0x80000047;
	s12 =	sshrl.u32 s7, $0x3  }
0xa: {  	s13 =	sshrl.u32 s6, $0x1;
	s14 =	sadd.s32 s7, s2;
	s10 =	sadd.s32 s7, s10  }
0xb: {  	s12 =	sadd.s32 s12, s5;
	s13 =	ssub.s32 s6, s13;
	s6 =	sor.u32 $0x1C05, s31  }
0xc: {  	s11 =	sadd.s32 s9, s5;
	s10 =	sshrl.u32 s10, $0x3;
	s8 =	sadd.s32 s8, s9  }
0xd: {  	s10 =	sadd.s32 s10, s5;
	s5 =	sadd.s32 $0x37800, s12;
	s7 =	sadd.s32 $0x1200, s11  }
0xe: {  	s11 =	sshrl.u32 s14, $0x3;
	s12 =	simm.s32 $0x5;
	s14 =	simm.s32 $0x20  }
0xf: {  	s9 =	sadd.s32 $0x64000, s10;
	s10 =	smax.u32 s13, $0x1;
	s13 =	simm.s32 $0x16380  }
.LBB2_1:
0x10: {  	[spmem:s11], [sflag:s6] =	dma.local [hbm:s5], $0x2C70  }
0x11: {  	_ =	swait.ge [sflag:s12], $0x2C70  }
0x12: {  	[sflag:s12] =	ssyncset.done $0x0  }
0x13: {  	[sflag:s12] =	ssyncadd.s32 $0xFFFFD390  }
0x14: {  	[tilespmem:s13], [sflag:$0x5] =	stream.linear.gather [hbm4b:s7+s3], $0x2720, $0x38;
	[tilespmem:$0x1F9C0] =	vst v63  }
0x15: {  	_ =	swait.ge [sflag:s12], $0x2720  }
0x16: {  	[sflag:s12] =	ssyncset.done $0x0  }
0x17: {  	s21 =	simm.s32 $0x18AA0;
	[sflag:s12] =	ssyncadd.s32 $0xFFFFD8E0  }
0x18: {  	[tilespmem:s21], [sflag:$0x5] =	stream.linear.gather [hbm4b:s8+s3], $0x2720, $0x38;
	[tilespmem:$0x1F9C0] =	vst v63  }
0x19: {  	_ =	swait.ge [sflag:s12], $0x2720  }
0x1a: {  	[sflag:s12] =	ssyncset.done $0x0  }
0x1b: {  	s22 =	simm.s32 $0x3;
	[sflag:s12] =	ssyncadd.s32 $0xFFFFD8E0  }
0x1c: {  	s23 =	simm.s32 $0x0;
	p0 =	por $0x0, $0x0;
	[bflag:$0x0] =	sbarrier.arrive $0xFFFF  }
0x1d: {  	[tilespmem:s15], [sflag:$0x1] =	stream.indirect.gather [hbm4b:s4+s14], $0x90, s13, s14, $0xb8;
	[tilespmem:$0x1F9C0] =	vst v63  }
0x1e: {  	s23 =	sand.u32 $0x3, s23;
	s22 =	sand.u32 @!p0 $0x3, s22  }
0x1f: {  	[tilespmem:s17], [sflag:$0x2] =	stream.indirect.gather [hbm4b:s4+s14], $0x90, s16, s14, $0xb8;
	[tilespmem:$0x1F9C0] =	vst v63  }
0x20: {  	s24 =	simm.s32 $0x163E0;
	s25 =	sadd.s32 $0x1, s23;
	s26 =	smul.u32 @!p0 $0x4800, s22  }
0x21: {  	[tilespmem:s19], [sflag:$0x3] =	stream.indirect.gather [hbm4b:s4+s14], $0x90, s18, s14, $0xb8;
	[tilespmem:$0x1F9C0] =	vst v63  }
0x22: {  	s28 =	simm.s32 @!p0 $0x20;
	s23 =	smul.u32 $0x4800, s23;
	_ =	swait.ge [sflag:s25], $0x1200  }
0x23: {  	s22 =	sadd.s32 @!p0 $0x1, s22;
	s26 =	sshrl.u32 @!p0 s26, $0x2;
	[sflag:s25] =	ssyncset.done $0x0  }
0x24: {  	s23 =	sshrl.u32 s23, $0x2;
	[sflag:s25] =	ssyncadd.s32 $0xFFFFEE00;
	s25 =	sadd.s32 @!p0 $0x1B1C0, s26  }
0x25: {  	[tilespmem:s25], [sflag:s22] =	stream.indirect.gather @!p0 [hbm4b:s4+s28], $0x90, s24, s28, $0xb8;
	[tilespmem:$0x1F9C0] =	vst v63  }
0x26: {  	s31 =	sadd.s32 $0x1B1C0, s23;
	s23 =	simm.s32 $0x5  }
0x27: {  	[spmem:s2] =	stream.indirect.scatter.add.f32 [tilespmem:s31], [sflag:$0x5], $0x90, s21, s14, $0xb8;
	[tilespmem:$0x1F9C0] =	vst v63  }
0x28: {  	s24 =	simm.s32 $0x4;
	s25 =	simm.s32 $0x1;
	_ =	swait.ge [sflag:s12], $0x1200  }
0x29: {  	s22 =	simm.s32 $0x16400;
	s21 =	simm.s32 $0x18AC0;
	[sflag:s12] =	ssyncset.done $0x0  }
.LBB2_2:
0x2a: {  	p1 =	sgt.u32 s25, $0x135  }
0x2b: {  	[sflag:s12] =	ssyncadd.s32 $0xFFFFEE00;
	s26 =	smov.u32 s23;
	s23 =	sadd.s32 $0x1, s23  }
0x2c: {  	s25 =	sand.u32 $0x3, s25;
	p0 =	sne.s32 s23, $0x13C;
	s24 =	sand.u32 @!p1 $0x3, s24  }
0x2d: {  	s28 =	sadd.s32 $0x1, s25;
	s29 =	smul.u32 @!p1 $0x4800, s24;
	s30 =	sadd.s32 @!p1 $0x1, s24  }
0x2e: {  	s25 =	smul.u32 $0x4800, s25;
	s24 =	smov.u32 s26;
	_ =	swait.ge [sflag:s28], $0x1200  }
0x2f: {  	[sflag:s28] =	ssyncset.done $0x0;
	s26 =	sshrl.u32 @!p1 s29, $0x2;
	s29 =	simm.s32 @!p1 $0x20  }
0x30: {  	s25 =	sshrl.u32 s25, $0x2;
	[sflag:s28] =	ssyncadd.s32 $0xFFFFEE00;
	s26 =	sadd.s32 @!p1 $0x1B1C0, s26  }
0x31: {  	[tilespmem:s26], [sflag:s30] =	stream.indirect.gather @!p1 [hbm4b:s4+s29], $0x90, s22, s29, $0xb8;
	[tilespmem:$0x1F9C0] =	vst v63  }
.Ltmp0:
0x32: {  	_ = 	snop;
	(pc) =	sbr.rel @p0 .LBB2_2-.Ltmp0, $4  }
0x33: {  	s25 =	sadd.s32 $0x1B1C0, s25  }
0x34: {  	[spmem:s2] =	stream.indirect.scatter.add.f32 [tilespmem:s25], [sflag:$0x5], $0x90, s21, s14, $0xb8;
	[tilespmem:$0x1F9C0] =	vst v63  }
0x35: {  	s21 =	sadd.s32 $0x20, s21;
	_ =	swait.ge [sflag:s12], $0x1200  }
0x36: {  	s22 =	sadd.s32 $0x20, s22;
	s25 =	sadd.s32 $0xFFFFFFFD, s24;
	[sflag:s12] =	ssyncset.done $0x0  }
0x37: {  	p0 =	sgt.u32 s25, $0x135  }
0x38: {  	s23 =	sand.u32 $0x3, s25;
	s24 =	sand.u32 @!p0 $0x3, s24  }
0x39: {  	[sflag:s12] =	ssyncadd.s32 $0xFFFFEE00;
	s25 =	sadd.s32 $0x1, s23;
	s26 =	smul.u32 @!p0 $0x4800, s24  }
0x3a: {  	s23 =	smul.u32 $0x4800, s23;
	s28 =	simm.s32 @!p0 $0x20;
	_ =	swait.ge [sflag:s25], $0x1200  }
0x3b: {  	s24 =	sadd.s32 @!p0 $0x1, s24;
	[sflag:s25] =	ssyncset.done $0x0;
	s26 =	sshrl.u32 @!p0 s26, $0x2  }
0x3c: {  	s23 =	sshrl.u32 s23, $0x2;
	[sflag:s25] =	ssyncadd.s32 $0xFFFFEE00;
	s25 =	sadd.s32 @!p0 $0x1B1C0, s26  }
0x3d: {  	[tilespmem:s25], [sflag:s24] =	stream.indirect.gather @!p0 [hbm4b:s4+s28], $0x90, s22, s28, $0xb8;
	[tilespmem:$0x1F9C0] =	vst v63  }
0x3e: {  	s31 =	sadd.s32 $0x1B1C0, s23  }
0x3f: {  	[spmem:s2] =	stream.indirect.scatter.add.f32 [tilespmem:s31], [sflag:$0x5], $0x90, s21, s14, $0xb8;
	[tilespmem:$0x1F9C0] =	vst v63  }
0x40: {  	_ =	swait.ge [sflag:s12], $0x1200  }
0x41: {  	s20 =	sadd.s32 $0x1, s20;
	[sflag:s12] =	ssyncset.done $0x0  }
0x42: {  	p0 =	sne.s32 s20, s10;
	[sflag:s12] =	ssyncadd.s32 $0xFFFFEE00  }
.Ltmp1:
0x43: {  	[bflag:$0x0] =	sbarrier.arrive $0xFFFF;
	(pc) =	sbr.rel @p0 .LBB2_1-.Ltmp1, $4  }
0x44: {  	[hbm:s9], [sflag:s6] =	dma.local [spmem:s11], $0x2C70  }
0x45: {  	_ =	swait.ge [sflag:s12], $0x2C70  }
0x46: {  	[sflag:s12] =	ssyncset.done $0x0  }
0x47: {  	[sflag:s12] =	ssyncadd.s32 $0xFFFFD390  }
0x48: {  	_ =	sfence.sel $0x180000  }
0x49: {  	[bflag:$0x0] =	sbarrier.arrive $0xFFFF  }
0x4a: {  	p0 =	sne.s32 s0, $0x0;
	_ =	strace $0x90000047  }
0x4b: {  	s0 =	sadd.s32 @!p0 $0x100000, s1;
	[bflag:$0x2] =	sbarrier.arrive $0xFFFF  }
0x4c: {  	[sflag:s0] =	ssyncadd.tile.s32 @!p0 $0x1;
	_ =	shalt  }
.Lfunc_end2:
_tile_overlayer_lowered:
.L_overlay_start_2:
0x4d: {  	(tag) =	ssettag $0x2  }
0x4e: {  	s0 =	rddreg [dreg:$0x0];
	s2 =	stileid.u32  }
0x4f: {  	s1 =	rddreg [dreg:$0x1];
	p0 =	sne.s32 s2, $0x0  }
0x50: {  	s3 =	rddreg [dreg:$0x2];
	[bflag:$0x3] =	sbarrier.arrive $0xFFFF;
	s2 =	simm.s32 @!p0 $0x1C05  }
0x51: {  	[timem:s3], [sflag:s2] =	dma.local @!p0 [hbm:s0], s1  }
0x52: {  	s0 =	simm.s32 @!p0 $0x5  }
0x53: {  	_ =	swait.ge @!p0 [sflag:s0], s1  }
0x54: {  	s1 =	ssub.s32 @!p0 $0x0, s1;
	[sflag:s0] =	ssyncset.done @!p0 $0x0  }
0x55: {  	[sflag:s0] =	ssyncadd.s32 @!p0 s1  }
0x56: {  	[bflag:$0x3] =	sbarrier.arrive $0xFFFF  }
0x57: {  	_ =	shalt  }

// kernel: kernel.14.cloned.1.call-start
scs
__scs_entry_jumppad:
0x0: {  	(pc) =	sbr.rel $0x88, $3  }
0x1: {  	(tag) =	ssettag $0x0;
	lr =	simm.s32 $0x1  }
0x2: {  	[smem:$0x3F9B] =	sst lr;
	_ =	strace $0xD0000000  }
0x3: {  	_ = 	snop  }
0x4: {  	_ = 	snop  }
0x5: {  	_ = 	snop  }
0x6: {  	_ = 	snop  }
0x7: {  	_ = 	snop  }
__scs_overlays_trampoline_lowered:
0x8: {  	[smem:$0x3FAA] =	sst s0  }
0x9: {  	[smem:$0x3FAB] =	sst s1  }
0xa: {  	[smem:$0x3FAC] =	sst s2  }
0xb: {  	[smem:$0x3FAD] =	sst s3  }
0xc: {  	[smem:$0x3FAE] =	sst s4  }
0xd: {  	[smem:$0x3FAF] =	sst s5  }
0xe: {  	[smem:$0x3FB0] =	sst s6  }
0xf: {  	[smem:$0x3FB1] =	sst s7  }
0x10: {  	[smem:$0x3FB2] =	sst s8  }
0x11: {  	[smem:$0x3FB3] =	sst s9;
	s0 =	simm.s32 @!p0 $0x0  }
0x12: {  	s1 =	sld [smem:$0x3F99];
	s0 =	simm.s32 @p0 $0x1  }
0x13: {  	[smem:$0x3FB4] =	sst s0;
	s0 =	simm.s32 @!p1 $0x0  }
0x14: {  	s2 =	sld [smem:$0x3F98];
	s0 =	simm.s32 @p1 $0x1  }
0x15: {  	[smem:$0x3FB5] =	sst s0;
	s0 =	simm.s32 @!p2 $0x0  }
0x16: {  	s3 =	sld [smem:$0x3FDB];
	s0 =	simm.s32 @p2 $0x1  }
0x17: {  	s4 =	simm.s32 $0x1BF5;
	[smem:$0x3FB7] =	sst s0  }
0x18: {  	s0 =	sld [smem:$0x3F9A];
	_ =	swait.ge [sflag:s4], $0x0  }
0x19: {  	s7 =	sld [smem:$0x3F9B]  }
0x1a: {  	s8 =	sadd.s32 $0xFFFFE003, lr  }
0x1b: {  	s9 =	sadd.s32 $0xFFFFFEF7, lr;
	s5 =	simm.s32 $0xFFFFFFFF;
	p2 =	slt.u32 s8, $0xFFFFF086  }
0x1c: {  	p1 =	slt.u32 s9, $0xF7A;
	s5 =	simm.s32 @!p2 $0x0  }
0x1d: {  	s5 =	simm.s32 @p1 $0x1;
	p0 =	seq.s32 s7, s2  }
0x1e: {  	s7 =	smul.u32 @!p0 $0xF7A, s2;
	p2 =	seq.s32 @!p0 s5, $0x0  }
0x1f: {  	s9 =	smul.u32 $0xF7A, s1;
	s8 =	simm.s32 @!p0 $0x1BF5;
	p2 =	por !p2, p0  }
0x20: {  	[sflag:s8] =	ssyncset.s32 @!p0 $0xFFFFF086;
	s6 =	sadd.s32 @!p0 s3, s7;
	s7 =	simm.s32 @!p0 $0x108  }
0x21: {  	s3 =	sadd.s32 s3, s9;
	s6 =	sadd.s32 @!p0 $0x88, s6;
	s7 =	simm.s32 @p2 $0x1082  }
0x22: {  	[simem:s7], [sflag:s8] =	dma.local @!p0 [hbm:s6], $0xF7A  }
0x23: {  	s9 =	sor.u32 $0xD0000000, s2;
	s6 =	simm.s32 $0x108;
	_ =	swait.ge @!p0 [sflag:s8], $0x0  }
0x24: {  	s3 =	sadd.s32 $0x88, s3;
	s6 =	simm.s32 @!p1 $0x1082;
	[sflag:s4] =	ssyncset.s32 $0xFFFFF086  }
0x25: {  	[simem:s6], [sflag:s4] =	dma.local [hbm:s3], $0xF7A  }
0x26: {  	[smem:$0x3F9B] =	sst s1;
	(tag) =	ssettag s2;
	_ =	strace s9  }
0x27: {  	s1 =	sld [smem:$0x3FAB]  }
0x28: {  	s2 =	sld [smem:$0x3FAC]  }
0x29: {  	s4 =	sld [smem:$0x3FAE]  }
0x2a: {  	p0 =	seq.s32 s5, $0x0;
	s5 =	sld [smem:$0x3FAF]  }
0x2b: {  	s6 =	sld [smem:$0x3FB0]  }
0x2c: {  	s7 =	sld [smem:$0x3FB1]  }
0x2d: {  	s3 =	simm.s32 $0x108;
	s8 =	sld [smem:$0x3FB2]  }
0x2e: {  	s3 =	simm.s32 @!p0 $0x1082;
	s9 =	sld [smem:$0x3FB3]  }
0x2f: {  	lr =	sadd.s32 s0, s3;
	s0 =	sld [smem:$0x3FAA]  }
0x30: {  	s3 =	sld [smem:$0x3FAD]  }
0x31: {  	[smem:$0x3FB6] =	sst s10  }
0x32: {  	s10 =	sld [smem:$0x3FB4];
	_ =	sdelay $0x3  }
0x33: {  	p0 =	seq.s32 s10, $0x1;
	s10 =	sld [smem:$0x3FB6];
	_ =	sdelay $0x3  }
0x34: {  	[smem:$0x3FB6] =	sst s10  }
0x35: {  	s10 =	sld [smem:$0x3FB5];
	_ =	sdelay $0x3  }
0x36: {  	p1 =	seq.s32 s10, $0x1;
	s10 =	sld [smem:$0x3FB6];
	_ =	sdelay $0x3  }
0x37: {  	[smem:$0x3FB6] =	sst s10  }
0x38: {  	s10 =	sld [smem:$0x3FB7]  }
0x39: {  	_ = 	snop;
	(pc) =	sbr.ind lr, $3  }
0x3a: {  	_ = 	snop  }
0x3b: {  	_ = 	snop  }
0x3c: {  	p2 =	seq.s32 s10, $0x1;
	s10 =	sld [smem:$0x3FB6]  }
0x3d: {  	_ =	shalt  }
0x3e: {  	_ =	shalt  }
0x3f: {  	_ =	shalt  }
0x40: {  	_ =	shalt  }
0x41: {  	_ =	shalt  }
0x42: {  	_ =	shalt  }
0x43: {  	_ =	shalt  }
0x44: {  	_ =	shalt  }
0x45: {  	_ =	shalt  }
0x46: {  	_ =	shalt  }
0x47: {  	_ =	shalt  }
0x48: {  	_ =	shalt  }
0x49: {  	_ =	shalt  }
0x4a: {  	_ =	shalt  }
0x4b: {  	_ =	shalt  }
0x4c: {  	_ =	shalt  }
0x4d: {  	_ =	shalt  }
0x4e: {  	_ =	shalt  }
0x4f: {  	_ =	shalt  }
0x50: {  	_ =	shalt  }
0x51: {  	_ =	shalt  }
0x52: {  	_ =	shalt  }
0x53: {  	_ =	shalt  }
0x54: {  	_ =	shalt  }
0x55: {  	_ =	shalt  }
0x56: {  	_ =	shalt  }
0x57: {  	_ =	shalt  }
0x58: {  	_ =	shalt  }
0x59: {  	_ =	shalt  }
0x5a: {  	_ =	shalt  }
0x5b: {  	_ =	shalt  }
0x5c: {  	_ =	shalt  }
0x5d: {  	_ =	shalt  }
0x5e: {  	_ =	shalt  }
0x5f: {  	_ =	shalt  }
0x60: {  	_ =	shalt  }
0x61: {  	_ =	shalt  }
0x62: {  	_ =	shalt  }
0x63: {  	_ =	shalt  }
0x64: {  	_ =	shalt  }
0x65: {  	_ =	shalt  }
0x66: {  	_ =	shalt  }
0x67: {  	_ =	shalt  }
0x68: {  	_ =	shalt  }
0x69: {  	_ =	shalt  }
0x6a: {  	_ =	shalt  }
0x6b: {  	_ =	shalt  }
0x6c: {  	_ =	shalt  }
0x6d: {  	_ =	shalt  }
0x6e: {  	_ =	shalt  }
0x6f: {  	_ =	shalt  }
0x70: {  	_ =	shalt  }
0x71: {  	_ =	shalt  }
0x72: {  	_ =	shalt  }
0x73: {  	_ =	shalt  }
0x74: {  	_ =	shalt  }
0x75: {  	_ =	shalt  }
0x76: {  	_ =	shalt  }
0x77: {  	_ =	shalt  }
0x78: {  	_ =	shalt  }
0x79: {  	_ =	shalt  }
0x7a: {  	_ =	shalt  }
0x7b: {  	_ =	shalt  }
0x7c: {  	_ =	shalt  }
0x7d: {  	_ =	shalt  }
0x7e: {  	_ =	shalt  }
0x7f: {  	_ =	shalt  }
0x80: {  	_ =	shalt  }
0x81: {  	_ =	shalt  }
0x82: {  	_ =	shalt  }
0x83: {  	_ =	shalt  }
0x84: {  	_ =	shalt  }
0x85: {  	_ =	shalt  }
0x86: {  	_ =	shalt  }
0x87: {  	_ =	shalt  }
.Lfunc_end0:
.L_simem_size_0:
called_computation.1_lowered:
.L_overlay_start_0:
0x88: {  	s2 =	sld [smem:$0x3FD9]  }
0x89: {  	s3 =	sld [smem:$0x3FFE];
	_ =	sdelay $0x1  }
0x8a: {  	s1 =	srdreg.scid  }
0x8b: {  	s0 =	sand.u32 $0x1, s1  }
0x8c: {  	s17 =	sshll.u32 s0, $0xA;
	s2 =	sadd.s32 s3, s2  }
0x8d: {  	s2 =	sadd.s32 s2, s17  }
0x8e: {  	[smem:$0x3FC2] =	sst s2  }
0x8f: {  	_ = 	snop  }
0x90: {  	s2 =	sld [smem:$0x3FD0];
	(tm) =	ssettm $0x1  }
0x91: {  	s18 =	sld [smem:$0x3FFB];
	_ =	sdelay $0x3  }
0x92: {  	_ =	strace s18  }
0x93: {  	s3 =	sld [smem:$0x3FFC];
	_ =	sdelay $0x3  }
0x94: {  	_ =	strace s3  }
0x95: {  	s3 =	sld [smem:$0x3FFD];
	_ =	sdelay $0x3  }
0x96: {  	_ =	strace s3  }
0x97: {  	_ =	strace $0x8FFFFFFF  }
0x98: {  	s19 =	sld [smem:$0x3FDB];
	_ =	sdelay $0x1  }
0x99: {  	s4 =	simm.s32 $_scs_section_size  }
0x9a: {  	s5 =	simm.s32 $_size__tile_overlayer_lowered;
	s6 =	simm.s32 $_tile_overlayer_lowered  }
0x9b: {  	s22 =	simm.s32 $0x1BFF;
	s21 =	sshll.u32 s6, $0x1;
	s3 =	sadd.s32 s4, s19  }
0x9c: {  	s7 =	simm.s32 $0x0;
	s20 =	sshll.u32 s5, $0x1;
	s5 =	sadd.s32 s21, s3  }
0x9d: {  	[timem:s7], [sflag:s22] =	dma.local [hbm:s5], s20  }
0x9e: {  	_ =	swait.ge [sflag:s22], s20  }
0x9f: {  	s4 =	ssub.s32 $0x0, s20;
	[sflag:s22] =	ssyncset.done $0x0  }
0xa0: {  	[sflag:s22] =	ssyncadd.s32 s4;
	_ =	sdelay $0x1  }
0xa1: {  	s23 =	simm.s32 $0x1B8B  }
0xa2: {  	_ =	swait.ge [sflag:s23], $0x1  }
0xa3: {  	[sflag:s23] =	ssyncset.done $0x0  }
0xa4: {  	s25 =	simm.s32 $0x1B8E;
	s24 =	sld [smem:$0x3FFE];
	[sflag:s23] =	ssyncadd.s32 $0xFFFFFFFF  }
0xa5: {  	s26 =	simm.s32 $execute0_lowered;
	[smem:$0x3FD2] =	sst s25  }
0xa6: {  	s5 =	sshll.u32 s26, $0x1;
	_ =	strace $0x80000049;
	[dreg:$0x1] =	wrdreg $0xFFFFFFFF  }
0xa7: {  	s28 =	simm.s32 $_size_execute0_lowered;
	s3 =	sadd.s32 s3, s5;
	[dreg:$0x0] =	wrdreg $0x0  }
0xa8: {  	s5 =	sshll.u32 s28, $0x1;
	[dreg:$0x2] =	wrdreg s3  }
0xa9: {  	[dreg:$0x3] =	wrdreg s5  }
0xaa: {  	[dreg:$0x4] =	wrdreg $0xC0  }
0xab: {  	_ =	task [dreg:s7], $0x5FFFF  }
0xac: {  	[dreg:$0x1] =	wrdreg $0xFFFFFFFF  }
0xad: {  	[dreg:$0x0] =	wrdreg $0x60  }
0xae: {  	[dreg:$0x2] =	wrdreg s2  }
0xaf: {  	[dreg:$0x3] =	wrdreg s24  }
0xb0: {  	[dreg:$0x4] =	wrdreg $0x0  }
0xb1: {  	[dreg:$0x5] =	wrdreg $0x9  }
0xb2: {  	_ =	task.clear_ibuf [dreg:s7], $0x6FFFF;
	_ =	strace $0x90000049  }
0xb3: {  	s29 =	simm.s32 $0x9;
	_ =	strace $0x8000004B  }
0xb4: {  	_ =	swait.ge [sflag:s29], $0x1  }
0xb5: {  	[sflag:s29] =	ssyncadd.s32 $0xFFFFFFFF  }
0xb6: {  	_ =	strace $0x9000004B  }
0xb7: {  	_ =	sfence  }
0xb8: {  	s30 =	sld [smem:$0x0];
	_ =	sdelay $0x2  }
0xb9: {  	s31 =	sshll.u32 s1, $0xD;
	s1 =	sshrl.u32 s1, $0x2  }
0xba: {  	s3 =	sand.u32 $0x4000, s31;
	s1 =	sadd.s32 s1, s30  }
0xbb: {  	s0 =	sor.u32 s3, s0;
	s1 =	sshll.u32 s1, $0x11  }
0xbc: {  	s0 =	sor.u32 s1, s0  }
0xbd: {  	s0 =	sadd.s32 $0x8F2B, s0  }
0xbe: {  	[sflag:s0] =	ssyncadd.remote.s32 $0x1  }
0xbf: {  	_ =	sfence.sel $0xFFFF  }
0xc0: {  	[dreg:$0x0] =	wrdreg $0xFFFFFFFF;
	(pc) =	sbr.abs _section_cstart, $3  }
0xc1: {  	[dreg:$0x1] =	wrdreg $0xFFFFFFFF  }
0xc2: {  	_ =	task.clear_ibuf [dreg:s7], $0x2FFFF;
	_ =	strace $0x9FFFFFFF  }
0xc3: {  	(tm) =	ssettm $0x7FFFFFFF  }
tec
execute0_lowered:
.L_overlay_start_1:
0x0: {  	(tag) =	ssettag $0x1  }
0x1: {  	s1 =	srdreg.scid;
	s7 =	rddreg [dreg:$0x0]  }
0x2: {  	s0 =	stileid.u32;
	s6 =	rddreg [dreg:$0x1]  }
0x3: {  	s2 =	rddreg [dreg:$0x2];
	s3 =	simm.s32 $0x0;
	s15 =	simm.s32 $0x1B1C0  }
0x4: {  	s16 =	simm.s32 $0x163A0;
	s17 =	simm.s32 $0x1C3C0;
	s18 =	simm.s32 $0x163C0  }
0x5: {  	s19 =	simm.s32 $0x1D5C0;
	s20 =	simm.s32 $0x0;
	s5 =	sand.u32 $0x1, s1  }
0x6: {  	s30 =	sshll.u32 s0, $0x1;
	s9 =	smul.u32 $0x16380, s0;
	[smem:$0x7FF] =	sst s3  }
0x7: {  	s4 =	sadd.s32 $0xB000, s6;
	s1 =	sor.u32 s5, s30;
	s10 =	smul.u32 $0x163800, s5  }
0x8: {  	s31 =	sshll.u32 s0, $0x6;
	s5 =	ssub.s32 $0x2, s5;
	s8 =	smul.u32 $0x4E4, s1  }
0x9: {  	s1 =	rddreg [dreg:$0x3];
	_ =	strace $0x8000004A;
	s12 =	sshrl.u32 s9, $0x3  }
0xa: {  	s13 =	sshrl.u32 s5, $0x1;
	s14 =	sadd.s32 s9, s2;
	s10 =	sadd.s32 s9, s10  }
0xb: {  	s12 =	sadd.s32 s12, s6;
	s13 =	ssub.s32 s5, s13;
	s11 =	sadd.s32 s8, s6  }
0xc: {  	s10 =	sshrl.u32 s10, $0x3;
	s5 =	sadd.s32 $0x37800, s12;
	s7 =	sadd.s32 s7, s8  }
0xd: {  	s12 =	simm.s32 $0x5;
	s10 =	sadd.s32 s10, s6;
	s6 =	sor.u32 $0x1C05, s31  }
0xe: {  	s8 =	sadd.s32 $0x1200, s11;
	s11 =	sshrl.u32 s14, $0x3;
	s14 =	simm.s32 $0x20  }
0xf: {  	s9 =	sadd.s32 $0x64000, s10;
	s10 =	smax.u32 s13, $0x1;
	s13 =	simm.s32 $0x16380  }
.LBB2_1:
0x10: {  	[spmem:s11], [sflag:s6] =	dma.local [hbm:s5], $0x2C70  }
0x11: {  	_ =	swait.ge [sflag:s12], $0x2C70  }
0x12: {  	[sflag:s12] =	ssyncset.done $0x0  }
0x13: {  	[sflag:s12] =	ssyncadd.s32 $0xFFFFD390  }
0x14: {  	[tilespmem:s13], [sflag:$0x5] =	stream.linear.gather [hbm4b:s7+s3], $0x2720, $0x38;
	[tilespmem:$0x1F9C0] =	vst v63  }
0x15: {  	_ =	swait.ge [sflag:s12], $0x2720  }
0x16: {  	[sflag:s12] =	ssyncset.done $0x0  }
0x17: {  	s21 =	simm.s32 $0x18AA0;
	[sflag:s12] =	ssyncadd.s32 $0xFFFFD8E0  }
0x18: {  	[tilespmem:s21], [sflag:$0x5] =	stream.linear.gather [hbm4b:s8+s3], $0x2720, $0x38;
	[tilespmem:$0x1F9C0] =	vst v63  }
0x19: {  	_ =	swait.ge [sflag:s12], $0x2720  }
0x1a: {  	[sflag:s12] =	ssyncset.done $0x0  }
0x1b: {  	s22 =	simm.s32 $0x3;
	[sflag:s12] =	ssyncadd.s32 $0xFFFFD8E0  }
0x1c: {  	s23 =	simm.s32 $0x0;
	p0 =	por $0x0, $0x0;
	[bflag:$0x0] =	sbarrier.arrive $0xFFFF  }
0x1d: {  	[tilespmem:s15], [sflag:$0x1] =	stream.indirect.gather [hbm4b:s4+s14], $0x90, s13, s14, $0xb8;
	[tilespmem:$0x1F9C0] =	vst v63  }
0x1e: {  	s23 =	sand.u32 $0x3, s23;
	s22 =	sand.u32 @!p0 $0x3, s22  }
0x1f: {  	[tilespmem:s17], [sflag:$0x2] =	stream.indirect.gather [hbm4b:s4+s14], $0x90, s16, s14, $0xb8;
	[tilespmem:$0x1F9C0] =	vst v63  }
0x20: {  	s24 =	simm.s32 $0x163E0;
	s25 =	sadd.s32 $0x1, s23;
	s26 =	smul.u32 @!p0 $0x4800, s22  }
0x21: {  	[tilespmem:s19], [sflag:$0x3] =	stream.indirect.gather [hbm4b:s4+s14], $0x90, s18, s14, $0xb8;
	[tilespmem:$0x1F9C0] =	vst v63  }
0x22: {  	s28 =	simm.s32 @!p0 $0x20;
	s23 =	smul.u32 $0x4800, s23;
	_ =	swait.ge [sflag:s25], $0x1200  }
0x23: {  	s22 =	sadd.s32 @!p0 $0x1, s22;
	s26 =	sshrl.u32 @!p0 s26, $0x2;
	[sflag:s25] =	ssyncset.done $0x0  }
0x24: {  	s23 =	sshrl.u32 s23, $0x2;
	[sflag:s25] =	ssyncadd.s32 $0xFFFFEE00;
	s25 =	sadd.s32 @!p0 $0x1B1C0, s26  }
0x25: {  	[tilespmem:s25], [sflag:s22] =	stream.indirect.gather @!p0 [hbm4b:s4+s28], $0x90, s24, s28, $0xb8;
	[tilespmem:$0x1F9C0] =	vst v63  }
0x26: {  	s31 =	sadd.s32 $0x1B1C0, s23;
	s23 =	simm.s32 $0x5  }
0x27: {  	[spmem:s2] =	stream.indirect.scatter.add.f32 [tilespmem:s31], [sflag:$0x5], $0x90, s21, s14, $0xb8;
	[tilespmem:$0x1F9C0] =	vst v63  }
0x28: {  	s24 =	simm.s32 $0x4;
	s25 =	simm.s32 $0x1;
	_ =	swait.ge [sflag:s12], $0x1200  }
0x29: {  	s22 =	simm.s32 $0x16400;
	s21 =	simm.s32 $0x18AC0;
	[sflag:s12] =	ssyncset.done $0x0  }
.LBB2_2:
0x2a: {  	p1 =	sgt.u32 s25, $0x135  }
0x2b: {  	[sflag:s12] =	ssyncadd.s32 $0xFFFFEE00;
	s26 =	smov.u32 s23;
	s23 =	sadd.s32 $0x1, s23  }
0x2c: {  	s25 =	sand.u32 $0x3, s25;
	p0 =	sne.s32 s23, $0x13C;
	s24 =	sand.u32 @!p1 $0x3, s24  }
0x2d: {  	s28 =	sadd.s32 $0x1, s25;
	s29 =	smul.u32 @!p1 $0x4800, s24;
	s30 =	sadd.s32 @!p1 $0x1, s24  }
0x2e: {  	s25 =	smul.u32 $0x4800, s25;
	s24 =	smov.u32 s26;
	_ =	swait.ge [sflag:s28], $0x1200  }
0x2f: {  	[sflag:s28] =	ssyncset.done $0x0;
	s26 =	sshrl.u32 @!p1 s29, $0x2;
	s29 =	simm.s32 @!p1 $0x20  }
0x30: {  	s25 =	sshrl.u32 s25, $0x2;
	[sflag:s28] =	ssyncadd.s32 $0xFFFFEE00;
	s26 =	sadd.s32 @!p1 $0x1B1C0, s26  }
0x31: {  	[tilespmem:s26], [sflag:s30] =	stream.indirect.gather @!p1 [hbm4b:s4+s29], $0x90, s22, s29, $0xb8;
	[tilespmem:$0x1F9C0] =	vst v63  }
.Ltmp0:
0x32: {  	_ = 	snop;
	(pc) =	sbr.rel @p0 .LBB2_2-.Ltmp0, $4  }
0x33: {  	s25 =	sadd.s32 $0x1B1C0, s25  }
0x34: {  	[spmem:s2] =	stream.indirect.scatter.add.f32 [tilespmem:s25], [sflag:$0x5], $0x90, s21, s14, $0xb8;
	[tilespmem:$0x1F9C0] =	vst v63  }
0x35: {  	s21 =	sadd.s32 $0x20, s21;
	_ =	swait.ge [sflag:s12], $0x1200  }
0x36: {  	s22 =	sadd.s32 $0x20, s22;
	s25 =	sadd.s32 $0xFFFFFFFD, s24;
	[sflag:s12] =	ssyncset.done $0x0  }
0x37: {  	p0 =	sgt.u32 s25, $0x135  }
0x38: {  	s23 =	sand.u32 $0x3, s25;
	s24 =	sand.u32 @!p0 $0x3, s24  }
0x39: {  	[sflag:s12] =	ssyncadd.s32 $0xFFFFEE00;
	s25 =	sadd.s32 $0x1, s23;
	s26 =	smul.u32 @!p0 $0x4800, s24  }
0x3a: {  	s23 =	smul.u32 $0x4800, s23;
	s28 =	simm.s32 @!p0 $0x20;
	_ =	swait.ge [sflag:s25], $0x1200  }
0x3b: {  	s24 =	sadd.s32 @!p0 $0x1, s24;
	[sflag:s25] =	ssyncset.done $0x0;
	s26 =	sshrl.u32 @!p0 s26, $0x2  }
0x3c: {  	s23 =	sshrl.u32 s23, $0x2;
	[sflag:s25] =	ssyncadd.s32 $0xFFFFEE00;
	s25 =	sadd.s32 @!p0 $0x1B1C0, s26  }
0x3d: {  	[tilespmem:s25], [sflag:s24] =	stream.indirect.gather @!p0 [hbm4b:s4+s28], $0x90, s22, s28, $0xb8;
	[tilespmem:$0x1F9C0] =	vst v63  }
0x3e: {  	s31 =	sadd.s32 $0x1B1C0, s23  }
0x3f: {  	[spmem:s2] =	stream.indirect.scatter.add.f32 [tilespmem:s31], [sflag:$0x5], $0x90, s21, s14, $0xb8;
	[tilespmem:$0x1F9C0] =	vst v63  }
0x40: {  	_ =	swait.ge [sflag:s12], $0x1200  }
0x41: {  	s20 =	sadd.s32 $0x1, s20;
	[sflag:s12] =	ssyncset.done $0x0  }
0x42: {  	p0 =	sne.s32 s20, s10;
	[sflag:s12] =	ssyncadd.s32 $0xFFFFEE00  }
.Ltmp1:
0x43: {  	[bflag:$0x0] =	sbarrier.arrive $0xFFFF;
	(pc) =	sbr.rel @p0 .LBB2_1-.Ltmp1, $4  }
0x44: {  	[hbm:s9], [sflag:s6] =	dma.local [spmem:s11], $0x2C70  }
0x45: {  	_ =	swait.ge [sflag:s12], $0x2C70  }
0x46: {  	[sflag:s12] =	ssyncset.done $0x0  }
0x47: {  	[sflag:s12] =	ssyncadd.s32 $0xFFFFD390  }
0x48: {  	_ =	sfence.sel $0x180000  }
0x49: {  	[bflag:$0x0] =	sbarrier.arrive $0xFFFF  }
0x4a: {  	p0 =	sne.s32 s0, $0x0;
	_ =	strace $0x9000004A  }
0x4b: {  	s0 =	sadd.s32 @!p0 $0x100000, s1;
	[bflag:$0x2] =	sbarrier.arrive $0xFFFF  }
0x4c: {  	[sflag:s0] =	ssyncadd.tile.s32 @!p0 $0x1;
	_ =	shalt  }
.Lfunc_end2:
_tile_overlayer_lowered:
.L_overlay_start_2:
0x4d: {  	(tag) =	ssettag $0x2  }
0x4e: {  	s0 =	rddreg [dreg:$0x0];
	s2 =	stileid.u32  }
0x4f: {  	s1 =	rddreg [dreg:$0x1];
	p0 =	sne.s32 s2, $0x0  }
0x50: {  	s3 =	rddreg [dreg:$0x2];
	[bflag:$0x3] =	sbarrier.arrive $0xFFFF;
	s2 =	simm.s32 @!p0 $0x1C05  }
0x51: {  	[timem:s3], [sflag:s2] =	dma.local @!p0 [hbm:s0], s1  }
0x52: {  	s0 =	simm.s32 @!p0 $0x5  }
0x53: {  	_ =	swait.ge @!p0 [sflag:s0], s1  }
0x54: {  	s1 =	ssub.s32 @!p0 $0x0, s1;
	[sflag:s0] =	ssyncset.done @!p0 $0x0  }
0x55: {  	[sflag:s0] =	ssyncadd.s32 @!p0 s1  }
0x56: {  	[bflag:$0x3] =	sbarrier.arrive $0xFFFF  }
0x57: {  	_ =	shalt  }

// kernel: kernel.17.cloned.1.call-start
scs
__scs_entry_jumppad:
0x0: {  	(pc) =	sbr.rel $0x88, $3  }
0x1: {  	(tag) =	ssettag $0x0;
	lr =	simm.s32 $0x1  }
0x2: {  	[smem:$0x3F9B] =	sst lr;
	_ =	strace $0xD0000000  }
0x3: {  	_ = 	snop  }
0x4: {  	_ = 	snop  }
0x5: {  	_ = 	snop  }
0x6: {  	_ = 	snop  }
0x7: {  	_ = 	snop  }
__scs_overlays_trampoline_lowered:
0x8: {  	[smem:$0x3FAA] =	sst s0  }
0x9: {  	[smem:$0x3FAB] =	sst s1  }
0xa: {  	[smem:$0x3FAC] =	sst s2  }
0xb: {  	[smem:$0x3FAD] =	sst s3  }
0xc: {  	[smem:$0x3FAE] =	sst s4  }
0xd: {  	[smem:$0x3FAF] =	sst s5  }
0xe: {  	[smem:$0x3FB0] =	sst s6  }
0xf: {  	[smem:$0x3FB1] =	sst s7  }
0x10: {  	[smem:$0x3FB2] =	sst s8  }
0x11: {  	[smem:$0x3FB3] =	sst s9;
	s0 =	simm.s32 @!p0 $0x0  }
0x12: {  	s1 =	sld [smem:$0x3F99];
	s0 =	simm.s32 @p0 $0x1  }
0x13: {  	[smem:$0x3FB4] =	sst s0;
	s0 =	simm.s32 @!p1 $0x0  }
0x14: {  	s2 =	sld [smem:$0x3F98];
	s0 =	simm.s32 @p1 $0x1  }
0x15: {  	[smem:$0x3FB5] =	sst s0;
	s0 =	simm.s32 @!p2 $0x0  }
0x16: {  	s3 =	sld [smem:$0x3FDB];
	s0 =	simm.s32 @p2 $0x1  }
0x17: {  	s4 =	simm.s32 $0x1BF5;
	[smem:$0x3FB7] =	sst s0  }
0x18: {  	s0 =	sld [smem:$0x3F9A];
	_ =	swait.ge [sflag:s4], $0x0  }
0x19: {  	s7 =	sld [smem:$0x3F9B]  }
0x1a: {  	s8 =	sadd.s32 $0xFFFFE003, lr  }
0x1b: {  	s9 =	sadd.s32 $0xFFFFFEF7, lr;
	s5 =	simm.s32 $0xFFFFFFFF;
	p2 =	slt.u32 s8, $0xFFFFF086  }
0x1c: {  	p1 =	slt.u32 s9, $0xF7A;
	s5 =	simm.s32 @!p2 $0x0  }
0x1d: {  	s5 =	simm.s32 @p1 $0x1;
	p0 =	seq.s32 s7, s2  }
0x1e: {  	s7 =	smul.u32 @!p0 $0xF7A, s2;
	p2 =	seq.s32 @!p0 s5, $0x0  }
0x1f: {  	s9 =	smul.u32 $0xF7A, s1;
	s8 =	simm.s32 @!p0 $0x1BF5;
	p2 =	por !p2, p0  }
0x20: {  	[sflag:s8] =	ssyncset.s32 @!p0 $0xFFFFF086;
	s6 =	sadd.s32 @!p0 s3, s7;
	s7 =	simm.s32 @!p0 $0x108  }
0x21: {  	s3 =	sadd.s32 s3, s9;
	s6 =	sadd.s32 @!p0 $0x88, s6;
	s7 =	simm.s32 @p2 $0x1082  }
0x22: {  	[simem:s7], [sflag:s8] =	dma.local @!p0 [hbm:s6], $0xF7A  }
0x23: {  	s9 =	sor.u32 $0xD0000000, s2;
	s6 =	simm.s32 $0x108;
	_ =	swait.ge @!p0 [sflag:s8], $0x0  }
0x24: {  	s3 =	sadd.s32 $0x88, s3;
	s6 =	simm.s32 @!p1 $0x1082;
	[sflag:s4] =	ssyncset.s32 $0xFFFFF086  }
0x25: {  	[simem:s6], [sflag:s4] =	dma.local [hbm:s3], $0xF7A  }
0x26: {  	[smem:$0x3F9B] =	sst s1;
	(tag) =	ssettag s2;
	_ =	strace s9  }
0x27: {  	s1 =	sld [smem:$0x3FAB]  }
0x28: {  	s2 =	sld [smem:$0x3FAC]  }
0x29: {  	s4 =	sld [smem:$0x3FAE]  }
0x2a: {  	p0 =	seq.s32 s5, $0x0;
	s5 =	sld [smem:$0x3FAF]  }
0x2b: {  	s6 =	sld [smem:$0x3FB0]  }
0x2c: {  	s7 =	sld [smem:$0x3FB1]  }
0x2d: {  	s3 =	simm.s32 $0x108;
	s8 =	sld [smem:$0x3FB2]  }
0x2e: {  	s3 =	simm.s32 @!p0 $0x1082;
	s9 =	sld [smem:$0x3FB3]  }
0x2f: {  	lr =	sadd.s32 s0, s3;
	s0 =	sld [smem:$0x3FAA]  }
0x30: {  	s3 =	sld [smem:$0x3FAD]  }
0x31: {  	[smem:$0x3FB6] =	sst s10  }
0x32: {  	s10 =	sld [smem:$0x3FB4];
	_ =	sdelay $0x3  }
0x33: {  	p0 =	seq.s32 s10, $0x1;
	s10 =	sld [smem:$0x3FB6];
	_ =	sdelay $0x3  }
0x34: {  	[smem:$0x3FB6] =	sst s10  }
0x35: {  	s10 =	sld [smem:$0x3FB5];
	_ =	sdelay $0x3  }
0x36: {  	p1 =	seq.s32 s10, $0x1;
	s10 =	sld [smem:$0x3FB6];
	_ =	sdelay $0x3  }
0x37: {  	[smem:$0x3FB6] =	sst s10  }
0x38: {  	s10 =	sld [smem:$0x3FB7]  }
0x39: {  	_ = 	snop;
	(pc) =	sbr.ind lr, $3  }
0x3a: {  	_ = 	snop  }
0x3b: {  	_ = 	snop  }
0x3c: {  	p2 =	seq.s32 s10, $0x1;
	s10 =	sld [smem:$0x3FB6]  }
0x3d: {  	_ =	shalt  }
0x3e: {  	_ =	shalt  }
0x3f: {  	_ =	shalt  }
0x40: {  	_ =	shalt  }
0x41: {  	_ =	shalt  }
0x42: {  	_ =	shalt  }
0x43: {  	_ =	shalt  }
0x44: {  	_ =	shalt  }
0x45: {  	_ =	shalt  }
0x46: {  	_ =	shalt  }
0x47: {  	_ =	shalt  }
0x48: {  	_ =	shalt  }
0x49: {  	_ =	shalt  }
0x4a: {  	_ =	shalt  }
0x4b: {  	_ =	shalt  }
0x4c: {  	_ =	shalt  }
0x4d: {  	_ =	shalt  }
0x4e: {  	_ =	shalt  }
0x4f: {  	_ =	shalt  }
0x50: {  	_ =	shalt  }
0x51: {  	_ =	shalt  }
0x52: {  	_ =	shalt  }
0x53: {  	_ =	shalt  }
0x54: {  	_ =	shalt  }
0x55: {  	_ =	shalt  }
0x56: {  	_ =	shalt  }
0x57: {  	_ =	shalt  }
0x58: {  	_ =	shalt  }
0x59: {  	_ =	shalt  }
0x5a: {  	_ =	shalt  }
0x5b: {  	_ =	shalt  }
0x5c: {  	_ =	shalt  }
0x5d: {  	_ =	shalt  }
0x5e: {  	_ =	shalt  }
0x5f: {  	_ =	shalt  }
0x60: {  	_ =	shalt  }
0x61: {  	_ =	shalt  }
0x62: {  	_ =	shalt  }
0x63: {  	_ =	shalt  }
0x64: {  	_ =	shalt  }
0x65: {  	_ =	shalt  }
0x66: {  	_ =	shalt  }
0x67: {  	_ =	shalt  }
0x68: {  	_ =	shalt  }
0x69: {  	_ =	shalt  }
0x6a: {  	_ =	shalt  }
0x6b: {  	_ =	shalt  }
0x6c: {  	_ =	shalt  }
0x6d: {  	_ =	shalt  }
0x6e: {  	_ =	shalt  }
0x6f: {  	_ =	shalt  }
0x70: {  	_ =	shalt  }
0x71: {  	_ =	shalt  }
0x72: {  	_ =	shalt  }
0x73: {  	_ =	shalt  }
0x74: {  	_ =	shalt  }
0x75: {  	_ =	shalt  }
0x76: {  	_ =	shalt  }
0x77: {  	_ =	shalt  }
0x78: {  	_ =	shalt  }
0x79: {  	_ =	shalt  }
0x7a: {  	_ =	shalt  }
0x7b: {  	_ =	shalt  }
0x7c: {  	_ =	shalt  }
0x7d: {  	_ =	shalt  }
0x7e: {  	_ =	shalt  }
0x7f: {  	_ =	shalt  }
0x80: {  	_ =	shalt  }
0x81: {  	_ =	shalt  }
0x82: {  	_ =	shalt  }
0x83: {  	_ =	shalt  }
0x84: {  	_ =	shalt  }
0x85: {  	_ =	shalt  }
0x86: {  	_ =	shalt  }
0x87: {  	_ =	shalt  }
.Lfunc_end0:
.L_simem_size_0:
called_computation.2_lowered:
.L_overlay_start_0:
0x88: {  	s2 =	sld [smem:$0x3FD9]  }
0x89: {  	s3 =	sld [smem:$0x3FFE];
	_ =	sdelay $0x1  }
0x8a: {  	s1 =	srdreg.scid  }
0x8b: {  	s0 =	sand.u32 $0x1, s1  }
0x8c: {  	s17 =	sshll.u32 s0, $0xA;
	s2 =	sadd.s32 s3, s2  }
0x8d: {  	s2 =	sadd.s32 s2, s17  }
0x8e: {  	[smem:$0x3FC2] =	sst s2  }
0x8f: {  	_ = 	snop  }
0x90: {  	s2 =	sld [smem:$0x3FD0];
	(tm) =	ssettm $0x1  }
0x91: {  	s18 =	sld [smem:$0x3FFB];
	_ =	sdelay $0x3  }
0x92: {  	_ =	strace s18  }
0x93: {  	s3 =	sld [smem:$0x3FFC];
	_ =	sdelay $0x3  }
0x94: {  	_ =	strace s3  }
0x95: {  	s3 =	sld [smem:$0x3FFD];
	_ =	sdelay $0x3  }
0x96: {  	_ =	strace s3  }
0x97: {  	_ =	strace $0x8FFFFFFF  }
0x98: {  	s19 =	sld [smem:$0x3FDB];
	_ =	sdelay $0x1  }
0x99: {  	s4 =	simm.s32 $_scs_section_size  }
0x9a: {  	s5 =	simm.s32 $_size__tile_overlayer_lowered;
	s6 =	simm.s32 $_tile_overlayer_lowered  }
0x9b: {  	s22 =	simm.s32 $0x1BFF;
	s21 =	sshll.u32 s6, $0x1;
	s3 =	sadd.s32 s4, s19  }
0x9c: {  	s7 =	simm.s32 $0x0;
	s20 =	sshll.u32 s5, $0x1;
	s5 =	sadd.s32 s21, s3  }
0x9d: {  	[timem:s7], [sflag:s22] =	dma.local [hbm:s5], s20  }
0x9e: {  	_ =	swait.ge [sflag:s22], s20  }
0x9f: {  	s4 =	ssub.s32 $0x0, s20;
	[sflag:s22] =	ssyncset.done $0x0  }
0xa0: {  	[sflag:s22] =	ssyncadd.s32 s4;
	_ =	sdelay $0x1  }
0xa1: {  	s23 =	simm.s32 $0x1B8B  }
0xa2: {  	_ =	swait.ge [sflag:s23], $0x1  }
0xa3: {  	[sflag:s23] =	ssyncset.done $0x0  }
0xa4: {  	s25 =	simm.s32 $0x1B8E;
	s24 =	sld [smem:$0x3FFE];
	[sflag:s23] =	ssyncadd.s32 $0xFFFFFFFF  }
0xa5: {  	s26 =	simm.s32 $execute0_lowered;
	[smem:$0x3FD2] =	sst s25  }
0xa6: {  	s5 =	sshll.u32 s26, $0x1;
	_ =	strace $0x8000004C;
	[dreg:$0x1] =	wrdreg $0xFFFFFFFF  }
0xa7: {  	s28 =	simm.s32 $_size_execute0_lowered;
	s3 =	sadd.s32 s3, s5;
	[dreg:$0x0] =	wrdreg $0x0  }
0xa8: {  	s5 =	sshll.u32 s28, $0x1;
	[dreg:$0x2] =	wrdreg s3  }
0xa9: {  	[dreg:$0x3] =	wrdreg s5  }
0xaa: {  	[dreg:$0x4] =	wrdreg $0xC0  }
0xab: {  	_ =	task [dreg:s7], $0x5FFFF  }
0xac: {  	[dreg:$0x1] =	wrdreg $0xFFFFFFFF  }
0xad: {  	[dreg:$0x0] =	wrdreg $0x60  }
0xae: {  	[dreg:$0x2] =	wrdreg s24  }
0xaf: {  	[dreg:$0x3] =	wrdreg s2  }
0xb0: {  	[dreg:$0x4] =	wrdreg $0x0  }
0xb1: {  	[dreg:$0x5] =	wrdreg $0x9  }
0xb2: {  	_ =	task.clear_ibuf [dreg:s7], $0x6FFFF;
	_ =	strace $0x9000004C  }
0xb3: {  	s29 =	simm.s32 $0x9;
	_ =	strace $0x8000004E  }
0xb4: {  	_ =	swait.ge [sflag:s29], $0x1  }
0xb5: {  	[sflag:s29] =	ssyncadd.s32 $0xFFFFFFFF  }
0xb6: {  	_ =	strace $0x9000004E  }
0xb7: {  	_ =	sfence  }
0xb8: {  	s30 =	sld [smem:$0x0];
	_ =	sdelay $0x2  }
0xb9: {  	s31 =	sshll.u32 s1, $0xD;
	s1 =	sshrl.u32 s1, $0x2  }
0xba: {  	s3 =	sand.u32 $0x4000, s31;
	s1 =	sadd.s32 s1, s30  }
0xbb: {  	s0 =	sor.u32 s3, s0;
	s1 =	sshll.u32 s1, $0x11  }
0xbc: {  	s0 =	sor.u32 s1, s0  }
0xbd: {  	s0 =	sadd.s32 $0x8F2B, s0  }
0xbe: {  	[sflag:s0] =	ssyncadd.remote.s32 $0x1  }
0xbf: {  	_ =	sfence.sel $0xFFFF  }
0xc0: {  	[dreg:$0x0] =	wrdreg $0xFFFFFFFF;
	(pc) =	sbr.abs _section_cstart, $3  }
0xc1: {  	[dreg:$0x1] =	wrdreg $0xFFFFFFFF  }
0xc2: {  	_ =	task.clear_ibuf [dreg:s7], $0x2FFFF;
	_ =	strace $0x9FFFFFFF  }
0xc3: {  	(tm) =	ssettm $0x7FFFFFFF  }
tec
execute0_lowered:
.L_overlay_start_1:
0x0: {  	(tag) =	ssettag $0x1  }
0x1: {  	s1 =	srdreg.scid;
	s5 =	rddreg [dreg:$0x0]  }
0x2: {  	s0 =	stileid.u32;
	s8 =	rddreg [dreg:$0x1]  }
0x3: {  	s2 =	rddreg [dreg:$0x2];
	s3 =	simm.s32 $0x0;
	s15 =	simm.s32 $0x1B1C0  }
0x4: {  	s16 =	simm.s32 $0x163A0;
	s17 =	simm.s32 $0x1C3C0;
	s18 =	simm.s32 $0x163C0  }
0x5: {  	s19 =	simm.s32 $0x1D5C0;
	s20 =	simm.s32 $0x0;
	s6 =	sand.u32 $0x1, s1  }
0x6: {  	s30 =	sshll.u32 s0, $0x1;
	s7 =	smul.u32 $0x16380, s0;
	[smem:$0x7FF] =	sst s3  }
0x7: {  	s4 =	sadd.s32 $0xB000, s5;
	s1 =	sor.u32 s6, s30;
	s10 =	smul.u32 $0x163800, s6  }
0x8: {  	s31 =	sshll.u32 s0, $0x6;
	s6 =	ssub.s32 $0x2, s6;
	s9 =	smul.u32 $0x4E4, s1  }
0x9: {  	s1 =	rddreg [dreg:$0x3];
	_ =	strace $0x8000004D;
	s12 =	sshrl.u32 s7, $0x3  }
0xa: {  	s13 =	sshrl.u32 s6, $0x1;
	s14 =	sadd.s32 s7, s2;
	s10 =	sadd.s32 s7, s10  }
0xb: {  	s12 =	sadd.s32 s12, s5;
	s13 =	ssub.s32 s6, s13;
	s6 =	sor.u32 $0x1C05, s31  }
0xc: {  	s11 =	sadd.s32 s9, s5;
	s10 =	sshrl.u32 s10, $0x3;
	s8 =	sadd.s32 s8, s9  }
0xd: {  	s10 =	sadd.s32 s10, s5;
	s5 =	sadd.s32 $0x37800, s12;
	s7 =	sadd.s32 $0x1200, s11  }
0xe: {  	s11 =	sshrl.u32 s14, $0x3;
	s12 =	simm.s32 $0x5;
	s14 =	simm.s32 $0x20  }
0xf: {  	s9 =	sadd.s32 $0x64000, s10;
	s10 =	smax.u32 s13, $0x1;
	s13 =	simm.s32 $0x16380  }
.LBB2_1:
0x10: {  	[spmem:s11], [sflag:s6] =	dma.local [hbm:s5], $0x2C70  }
0x11: {  	_ =	swait.ge [sflag:s12], $0x2C70  }
0x12: {  	[sflag:s12] =	ssyncset.done $0x0  }
0x13: {  	[sflag:s12] =	ssyncadd.s32 $0xFFFFD390  }
0x14: {  	[tilespmem:s13], [sflag:$0x5] =	stream.linear.gather [hbm4b:s7+s3], $0x2720, $0x38;
	[tilespmem:$0x1F9C0] =	vst v63  }
0x15: {  	_ =	swait.ge [sflag:s12], $0x2720  }
0x16: {  	[sflag:s12] =	ssyncset.done $0x0  }
0x17: {  	s21 =	simm.s32 $0x18AA0;
	[sflag:s12] =	ssyncadd.s32 $0xFFFFD8E0  }
0x18: {  	[tilespmem:s21], [sflag:$0x5] =	stream.linear.gather [hbm4b:s8+s3], $0x2720, $0x38;
	[tilespmem:$0x1F9C0] =	vst v63  }
0x19: {  	_ =	swait.ge [sflag:s12], $0x2720  }
0x1a: {  	[sflag:s12] =	ssyncset.done $0x0  }
0x1b: {  	s22 =	simm.s32 $0x3;
	[sflag:s12] =	ssyncadd.s32 $0xFFFFD8E0  }
0x1c: {  	s23 =	simm.s32 $0x0;
	p0 =	por $0x0, $0x0;
	[bflag:$0x0] =	sbarrier.arrive $0xFFFF  }
0x1d: {  	[tilespmem:s15], [sflag:$0x1] =	stream.indirect.gather [hbm4b:s4+s14], $0x90, s13, s14, $0xb8;
	[tilespmem:$0x1F9C0] =	vst v63  }
0x1e: {  	s23 =	sand.u32 $0x3, s23;
	s22 =	sand.u32 @!p0 $0x3, s22  }
0x1f: {  	[tilespmem:s17], [sflag:$0x2] =	stream.indirect.gather [hbm4b:s4+s14], $0x90, s16, s14, $0xb8;
	[tilespmem:$0x1F9C0] =	vst v63  }
0x20: {  	s24 =	simm.s32 $0x163E0;
	s25 =	sadd.s32 $0x1, s23;
	s26 =	smul.u32 @!p0 $0x4800, s22  }
0x21: {  	[tilespmem:s19], [sflag:$0x3] =	stream.indirect.gather [hbm4b:s4+s14], $0x90, s18, s14, $0xb8;
	[tilespmem:$0x1F9C0] =	vst v63  }
0x22: {  	s28 =	simm.s32 @!p0 $0x20;
	s23 =	smul.u32 $0x4800, s23;
	_ =	swait.ge [sflag:s25], $0x1200  }
0x23: {  	s22 =	sadd.s32 @!p0 $0x1, s22;
	s26 =	sshrl.u32 @!p0 s26, $0x2;
	[sflag:s25] =	ssyncset.done $0x0  }
0x24: {  	s23 =	sshrl.u32 s23, $0x2;
	[sflag:s25] =	ssyncadd.s32 $0xFFFFEE00;
	s25 =	sadd.s32 @!p0 $0x1B1C0, s26  }
0x25: {  	[tilespmem:s25], [sflag:s22] =	stream.indirect.gather @!p0 [hbm4b:s4+s28], $0x90, s24, s28, $0xb8;
	[tilespmem:$0x1F9C0] =	vst v63  }
0x26: {  	s31 =	sadd.s32 $0x1B1C0, s23;
	s23 =	simm.s32 $0x5  }
0x27: {  	[spmem:s2] =	stream.indirect.scatter.add.f32 [tilespmem:s31], [sflag:$0x5], $0x90, s21, s14, $0xb8;
	[tilespmem:$0x1F9C0] =	vst v63  }
0x28: {  	s24 =	simm.s32 $0x4;
	s25 =	simm.s32 $0x1;
	_ =	swait.ge [sflag:s12], $0x1200  }
0x29: {  	s22 =	simm.s32 $0x16400;
	s21 =	simm.s32 $0x18AC0;
	[sflag:s12] =	ssyncset.done $0x0  }
.LBB2_2:
0x2a: {  	p1 =	sgt.u32 s25, $0x135  }
0x2b: {  	[sflag:s12] =	ssyncadd.s32 $0xFFFFEE00;
	s26 =	smov.u32 s23;
	s23 =	sadd.s32 $0x1, s23  }
0x2c: {  	s25 =	sand.u32 $0x3, s25;
	p0 =	sne.s32 s23, $0x13C;
	s24 =	sand.u32 @!p1 $0x3, s24  }
0x2d: {  	s28 =	sadd.s32 $0x1, s25;
	s29 =	smul.u32 @!p1 $0x4800, s24;
	s30 =	sadd.s32 @!p1 $0x1, s24  }
0x2e: {  	s25 =	smul.u32 $0x4800, s25;
	s24 =	smov.u32 s26;
	_ =	swait.ge [sflag:s28], $0x1200  }
0x2f: {  	[sflag:s28] =	ssyncset.done $0x0;
	s26 =	sshrl.u32 @!p1 s29, $0x2;
	s29 =	simm.s32 @!p1 $0x20  }
0x30: {  	s25 =	sshrl.u32 s25, $0x2;
	[sflag:s28] =	ssyncadd.s32 $0xFFFFEE00;
	s26 =	sadd.s32 @!p1 $0x1B1C0, s26  }
0x31: {  	[tilespmem:s26], [sflag:s30] =	stream.indirect.gather @!p1 [hbm4b:s4+s29], $0x90, s22, s29, $0xb8;
	[tilespmem:$0x1F9C0] =	vst v63  }
.Ltmp0:
0x32: {  	_ = 	snop;
	(pc) =	sbr.rel @p0 .LBB2_2-.Ltmp0, $4  }
0x33: {  	s25 =	sadd.s32 $0x1B1C0, s25  }
0x34: {  	[spmem:s2] =	stream.indirect.scatter.add.f32 [tilespmem:s25], [sflag:$0x5], $0x90, s21, s14, $0xb8;
	[tilespmem:$0x1F9C0] =	vst v63  }
0x35: {  	s21 =	sadd.s32 $0x20, s21;
	_ =	swait.ge [sflag:s12], $0x1200  }
0x36: {  	s22 =	sadd.s32 $0x20, s22;
	s25 =	sadd.s32 $0xFFFFFFFD, s24;
	[sflag:s12] =	ssyncset.done $0x0  }
0x37: {  	p0 =	sgt.u32 s25, $0x135  }
0x38: {  	s23 =	sand.u32 $0x3, s25;
	s24 =	sand.u32 @!p0 $0x3, s24  }
0x39: {  	[sflag:s12] =	ssyncadd.s32 $0xFFFFEE00;
	s25 =	sadd.s32 $0x1, s23;
	s26 =	smul.u32 @!p0 $0x4800, s24  }
0x3a: {  	s23 =	smul.u32 $0x4800, s23;
	s28 =	simm.s32 @!p0 $0x20;
	_ =	swait.ge [sflag:s25], $0x1200  }
0x3b: {  	s24 =	sadd.s32 @!p0 $0x1, s24;
	[sflag:s25] =	ssyncset.done $0x0;
	s26 =	sshrl.u32 @!p0 s26, $0x2  }
0x3c: {  	s23 =	sshrl.u32 s23, $0x2;
	[sflag:s25] =	ssyncadd.s32 $0xFFFFEE00;
	s25 =	sadd.s32 @!p0 $0x1B1C0, s26  }
0x3d: {  	[tilespmem:s25], [sflag:s24] =	stream.indirect.gather @!p0 [hbm4b:s4+s28], $0x90, s22, s28, $0xb8;
	[tilespmem:$0x1F9C0] =	vst v63  }
0x3e: {  	s31 =	sadd.s32 $0x1B1C0, s23  }
0x3f: {  	[spmem:s2] =	stream.indirect.scatter.add.f32 [tilespmem:s31], [sflag:$0x5], $0x90, s21, s14, $0xb8;
	[tilespmem:$0x1F9C0] =	vst v63  }
0x40: {  	_ =	swait.ge [sflag:s12], $0x1200  }
0x41: {  	s20 =	sadd.s32 $0x1, s20;
	[sflag:s12] =	ssyncset.done $0x0  }
0x42: {  	p0 =	sne.s32 s20, s10;
	[sflag:s12] =	ssyncadd.s32 $0xFFFFEE00  }
.Ltmp1:
0x43: {  	[bflag:$0x0] =	sbarrier.arrive $0xFFFF;
	(pc) =	sbr.rel @p0 .LBB2_1-.Ltmp1, $4  }
0x44: {  	[hbm:s9], [sflag:s6] =	dma.local [spmem:s11], $0x2C70  }
0x45: {  	_ =	swait.ge [sflag:s12], $0x2C70  }
0x46: {  	[sflag:s12] =	ssyncset.done $0x0  }
0x47: {  	[sflag:s12] =	ssyncadd.s32 $0xFFFFD390  }
0x48: {  	_ =	sfence.sel $0x180000  }
0x49: {  	[bflag:$0x0] =	sbarrier.arrive $0xFFFF  }
0x4a: {  	p0 =	sne.s32 s0, $0x0;
	_ =	strace $0x9000004D  }
0x4b: {  	s0 =	sadd.s32 @!p0 $0x100000, s1;
	[bflag:$0x2] =	sbarrier.arrive $0xFFFF  }
0x4c: {  	[sflag:s0] =	ssyncadd.tile.s32 @!p0 $0x1;
	_ =	shalt  }
.Lfunc_end2:
_tile_overlayer_lowered:
.L_overlay_start_2:
0x4d: {  	(tag) =	ssettag $0x2  }
0x4e: {  	s0 =	rddreg [dreg:$0x0];
	s2 =	stileid.u32  }
0x4f: {  	s1 =	rddreg [dreg:$0x1];
	p0 =	sne.s32 s2, $0x0  }
0x50: {  	s3 =	rddreg [dreg:$0x2];
	[bflag:$0x3] =	sbarrier.arrive $0xFFFF;
	s2 =	simm.s32 @!p0 $0x1C05  }
0x51: {  	[timem:s3], [sflag:s2] =	dma.local @!p0 [hbm:s0], s1  }
0x52: {  	s0 =	simm.s32 @!p0 $0x5  }
0x53: {  	_ =	swait.ge @!p0 [sflag:s0], s1  }
0x54: {  	s1 =	ssub.s32 @!p0 $0x0, s1;
	[sflag:s0] =	ssyncset.done @!p0 $0x0  }
0x55: {  	[sflag:s0] =	ssyncadd.s32 @!p0 s1  }
0x56: {  	[bflag:$0x3] =	sbarrier.arrive $0xFFFF  }
0x57: {  	_ =	shalt  }

// kernel: kernel.20.cloned.1.call-start
scs
__scs_entry_jumppad:
0x0: {  	(pc) =	sbr.rel $0x88, $3  }
0x1: {  	(tag) =	ssettag $0x0;
	lr =	simm.s32 $0x1  }
0x2: {  	[smem:$0x3F9B] =	sst lr;
	_ =	strace $0xD0000000  }
0x3: {  	_ = 	snop  }
0x4: {  	_ = 	snop  }
0x5: {  	_ = 	snop  }
0x6: {  	_ = 	snop  }
0x7: {  	_ = 	snop  }
__scs_overlays_trampoline_lowered:
0x8: {  	[smem:$0x3FAA] =	sst s0  }
0x9: {  	[smem:$0x3FAB] =	sst s1  }
0xa: {  	[smem:$0x3FAC] =	sst s2  }
0xb: {  	[smem:$0x3FAD] =	sst s3  }
0xc: {  	[smem:$0x3FAE] =	sst s4  }
0xd: {  	[smem:$0x3FAF] =	sst s5  }
0xe: {  	[smem:$0x3FB0] =	sst s6  }
0xf: {  	[smem:$0x3FB1] =	sst s7  }
0x10: {  	[smem:$0x3FB2] =	sst s8  }
0x11: {  	[smem:$0x3FB3] =	sst s9;
	s0 =	simm.s32 @!p0 $0x0  }
0x12: {  	s1 =	sld [smem:$0x3F99];
	s0 =	simm.s32 @p0 $0x1  }
0x13: {  	[smem:$0x3FB4] =	sst s0;
	s0 =	simm.s32 @!p1 $0x0  }
0x14: {  	s2 =	sld [smem:$0x3F98];
	s0 =	simm.s32 @p1 $0x1  }
0x15: {  	[smem:$0x3FB5] =	sst s0;
	s0 =	simm.s32 @!p2 $0x0  }
0x16: {  	s3 =	sld [smem:$0x3FDB];
	s0 =	simm.s32 @p2 $0x1  }
0x17: {  	s4 =	simm.s32 $0x1BF5;
	[smem:$0x3FB7] =	sst s0  }
0x18: {  	s0 =	sld [smem:$0x3F9A];
	_ =	swait.ge [sflag:s4], $0x0  }
0x19: {  	s7 =	sld [smem:$0x3F9B]  }
0x1a: {  	s8 =	sadd.s32 $0xFFFFE003, lr  }
0x1b: {  	s9 =	sadd.s32 $0xFFFFFEF7, lr;
	s5 =	simm.s32 $0xFFFFFFFF;
	p2 =	slt.u32 s8, $0xFFFFF086  }
0x1c: {  	p1 =	slt.u32 s9, $0xF7A;
	s5 =	simm.s32 @!p2 $0x0  }
0x1d: {  	s5 =	simm.s32 @p1 $0x1;
	p0 =	seq.s32 s7, s2  }
0x1e: {  	s7 =	smul.u32 @!p0 $0xF7A, s2;
	p2 =	seq.s32 @!p0 s5, $0x0  }
0x1f: {  	s9 =	smul.u32 $0xF7A, s1;
	s8 =	simm.s32 @!p0 $0x1BF5;
	p2 =	por !p2, p0  }
0x20: {  	[sflag:s8] =	ssyncset.s32 @!p0 $0xFFFFF086;
	s6 =	sadd.s32 @!p0 s3, s7;
	s7 =	simm.s32 @!p0 $0x108  }
0x21: {  	s3 =	sadd.s32 s3, s9;
	s6 =	sadd.s32 @!p0 $0x88, s6;
	s7 =	simm.s32 @p2 $0x1082  }
0x22: {  	[simem:s7], [sflag:s8] =	dma.local @!p0 [hbm:s6], $0xF7A  }
0x23: {  	s9 =	sor.u32 $0xD0000000, s2;
	s6 =	simm.s32 $0x108;
	_ =	swait.ge @!p0 [sflag:s8], $0x0  }
0x24: {  	s3 =	sadd.s32 $0x88, s3;
	s6 =	simm.s32 @!p1 $0x1082;
	[sflag:s4] =	ssyncset.s32 $0xFFFFF086  }
0x25: {  	[simem:s6], [sflag:s4] =	dma.local [hbm:s3], $0xF7A  }
0x26: {  	[smem:$0x3F9B] =	sst s1;
	(tag) =	ssettag s2;
	_ =	strace s9  }
0x27: {  	s1 =	sld [smem:$0x3FAB]  }
0x28: {  	s2 =	sld [smem:$0x3FAC]  }
0x29: {  	s4 =	sld [smem:$0x3FAE]  }
0x2a: {  	p0 =	seq.s32 s5, $0x0;
	s5 =	sld [smem:$0x3FAF]  }
0x2b: {  	s6 =	sld [smem:$0x3FB0]  }
0x2c: {  	s7 =	sld [smem:$0x3FB1]  }
0x2d: {  	s3 =	simm.s32 $0x108;
	s8 =	sld [smem:$0x3FB2]  }
0x2e: {  	s3 =	simm.s32 @!p0 $0x1082;
	s9 =	sld [smem:$0x3FB3]  }
0x2f: {  	lr =	sadd.s32 s0, s3;
	s0 =	sld [smem:$0x3FAA]  }
0x30: {  	s3 =	sld [smem:$0x3FAD]  }
0x31: {  	[smem:$0x3FB6] =	sst s10  }
0x32: {  	s10 =	sld [smem:$0x3FB4];
	_ =	sdelay $0x3  }
0x33: {  	p0 =	seq.s32 s10, $0x1;
	s10 =	sld [smem:$0x3FB6];
	_ =	sdelay $0x3  }
0x34: {  	[smem:$0x3FB6] =	sst s10  }
0x35: {  	s10 =	sld [smem:$0x3FB5];
	_ =	sdelay $0x3  }
0x36: {  	p1 =	seq.s32 s10, $0x1;
	s10 =	sld [smem:$0x3FB6];
	_ =	sdelay $0x3  }
0x37: {  	[smem:$0x3FB6] =	sst s10  }
0x38: {  	s10 =	sld [smem:$0x3FB7]  }
0x39: {  	_ = 	snop;
	(pc) =	sbr.ind lr, $3  }
0x3a: {  	_ = 	snop  }
0x3b: {  	_ = 	snop  }
0x3c: {  	p2 =	seq.s32 s10, $0x1;
	s10 =	sld [smem:$0x3FB6]  }
0x3d: {  	_ =	shalt  }
0x3e: {  	_ =	shalt  }
0x3f: {  	_ =	shalt  }
0x40: {  	_ =	shalt  }
0x41: {  	_ =	shalt  }
0x42: {  	_ =	shalt  }
0x43: {  	_ =	shalt  }
0x44: {  	_ =	shalt  }
0x45: {  	_ =	shalt  }
0x46: {  	_ =	shalt  }
0x47: {  	_ =	shalt  }
0x48: {  	_ =	shalt  }
0x49: {  	_ =	shalt  }
0x4a: {  	_ =	shalt  }
0x4b: {  	_ =	shalt  }
0x4c: {  	_ =	shalt  }
0x4d: {  	_ =	shalt  }
0x4e: {  	_ =	shalt  }
0x4f: {  	_ =	shalt  }
0x50: {  	_ =	shalt  }
0x51: {  	_ =	shalt  }
0x52: {  	_ =	shalt  }
0x53: {  	_ =	shalt  }
0x54: {  	_ =	shalt  }
0x55: {  	_ =	shalt  }
0x56: {  	_ =	shalt  }
0x57: {  	_ =	shalt  }
0x58: {  	_ =	shalt  }
0x59: {  	_ =	shalt  }
0x5a: {  	_ =	shalt  }
0x5b: {  	_ =	shalt  }
0x5c: {  	_ =	shalt  }
0x5d: {  	_ =	shalt  }
0x5e: {  	_ =	shalt  }
0x5f: {  	_ =	shalt  }
0x60: {  	_ =	shalt  }
0x61: {  	_ =	shalt  }
0x62: {  	_ =	shalt  }
0x63: {  	_ =	shalt  }
0x64: {  	_ =	shalt  }
0x65: {  	_ =	shalt  }
0x66: {  	_ =	shalt  }
0x67: {  	_ =	shalt  }
0x68: {  	_ =	shalt  }
0x69: {  	_ =	shalt  }
0x6a: {  	_ =	shalt  }
0x6b: {  	_ =	shalt  }
0x6c: {  	_ =	shalt  }
0x6d: {  	_ =	shalt  }
0x6e: {  	_ =	shalt  }
0x6f: {  	_ =	shalt  }
0x70: {  	_ =	shalt  }
0x71: {  	_ =	shalt  }
0x72: {  	_ =	shalt  }
0x73: {  	_ =	shalt  }
0x74: {  	_ =	shalt  }
0x75: {  	_ =	shalt  }
0x76: {  	_ =	shalt  }
0x77: {  	_ =	shalt  }
0x78: {  	_ =	shalt  }
0x79: {  	_ =	shalt  }
0x7a: {  	_ =	shalt  }
0x7b: {  	_ =	shalt  }
0x7c: {  	_ =	shalt  }
0x7d: {  	_ =	shalt  }
0x7e: {  	_ =	shalt  }
0x7f: {  	_ =	shalt  }
0x80: {  	_ =	shalt  }
0x81: {  	_ =	shalt  }
0x82: {  	_ =	shalt  }
0x83: {  	_ =	shalt  }
0x84: {  	_ =	shalt  }
0x85: {  	_ =	shalt  }
0x86: {  	_ =	shalt  }
0x87: {  	_ =	shalt  }
.Lfunc_end0:
.L_simem_size_0:
called_computation.3_lowered:
.L_overlay_start_0:
0x88: {  	s2 =	sld [smem:$0x3FD9]  }
0x89: {  	s3 =	sld [smem:$0x3FFE];
	_ =	sdelay $0x1  }
0x8a: {  	s1 =	srdreg.scid  }
0x8b: {  	s0 =	sand.u32 $0x1, s1  }
0x8c: {  	s17 =	sshll.u32 s0, $0xA;
	s2 =	sadd.s32 s3, s2  }
0x8d: {  	s2 =	sadd.s32 s2, s17  }
0x8e: {  	[smem:$0x3FC2] =	sst s2  }
0x8f: {  	_ = 	snop  }
0x90: {  	s2 =	sld [smem:$0x3FD0];
	(tm) =	ssettm $0x1  }
0x91: {  	s18 =	sld [smem:$0x3FFB];
	_ =	sdelay $0x3  }
0x92: {  	_ =	strace s18  }
0x93: {  	s3 =	sld [smem:$0x3FFC];
	_ =	sdelay $0x3  }
0x94: {  	_ =	strace s3  }
0x95: {  	s3 =	sld [smem:$0x3FFD];
	_ =	sdelay $0x3  }
0x96: {  	_ =	strace s3  }
0x97: {  	_ =	strace $0x8FFFFFFF  }
0x98: {  	s19 =	sld [smem:$0x3FDB];
	_ =	sdelay $0x1  }
0x99: {  	s4 =	simm.s32 $_scs_section_size  }
0x9a: {  	s5 =	simm.s32 $_size__tile_overlayer_lowered;
	s6 =	simm.s32 $_tile_overlayer_lowered  }
0x9b: {  	s22 =	simm.s32 $0x1BFF;
	s21 =	sshll.u32 s6, $0x1;
	s3 =	sadd.s32 s4, s19  }
0x9c: {  	s7 =	simm.s32 $0x0;
	s20 =	sshll.u32 s5, $0x1;
	s5 =	sadd.s32 s21, s3  }
0x9d: {  	[timem:s7], [sflag:s22] =	dma.local [hbm:s5], s20  }
0x9e: {  	_ =	swait.ge [sflag:s22], s20  }
0x9f: {  	s4 =	ssub.s32 $0x0, s20;
	[sflag:s22] =	ssyncset.done $0x0  }
0xa0: {  	[sflag:s22] =	ssyncadd.s32 s4;
	_ =	sdelay $0x1  }
0xa1: {  	s23 =	simm.s32 $0x1B8B  }
0xa2: {  	_ =	swait.ge [sflag:s23], $0x1  }
0xa3: {  	[sflag:s23] =	ssyncset.done $0x0  }
0xa4: {  	s25 =	simm.s32 $0x1B8E;
	s24 =	sld [smem:$0x3FFE];
	[sflag:s23] =	ssyncadd.s32 $0xFFFFFFFF  }
0xa5: {  	s26 =	simm.s32 $execute0_lowered;
	[smem:$0x3FD2] =	sst s25  }
0xa6: {  	s5 =	sshll.u32 s26, $0x1;
	_ =	strace $0x8000004F;
	[dreg:$0x1] =	wrdreg $0xFFFFFFFF  }
0xa7: {  	s28 =	simm.s32 $_size_execute0_lowered;
	s3 =	sadd.s32 s3, s5;
	[dreg:$0x0] =	wrdreg $0x0  }
0xa8: {  	s5 =	sshll.u32 s28, $0x1;
	[dreg:$0x2] =	wrdreg s3  }
0xa9: {  	[dreg:$0x3] =	wrdreg s5  }
0xaa: {  	[dreg:$0x4] =	wrdreg $0xC0  }
0xab: {  	_ =	task [dreg:s7], $0x5FFFF  }
0xac: {  	[dreg:$0x1] =	wrdreg $0xFFFFFFFF  }
0xad: {  	[dreg:$0x0] =	wrdreg $0x60  }
0xae: {  	[dreg:$0x2] =	wrdreg s2  }
0xaf: {  	[dreg:$0x3] =	wrdreg s24  }
0xb0: {  	[dreg:$0x4] =	wrdreg $0x0  }
0xb1: {  	[dreg:$0x5] =	wrdreg $0x9  }
0xb2: {  	_ =	task.clear_ibuf [dreg:s7], $0x6FFFF;
	_ =	strace $0x9000004F  }
0xb3: {  	s29 =	simm.s32 $0x9;
	_ =	strace $0x80000051  }
0xb4: {  	_ =	swait.ge [sflag:s29], $0x1  }
0xb5: {  	[sflag:s29] =	ssyncadd.s32 $0xFFFFFFFF  }
0xb6: {  	_ =	strace $0x90000051  }
0xb7: {  	_ =	sfence  }
0xb8: {  	s30 =	sld [smem:$0x0];
	_ =	sdelay $0x2  }
0xb9: {  	s31 =	sshll.u32 s1, $0xD;
	s1 =	sshrl.u32 s1, $0x2  }
0xba: {  	s3 =	sand.u32 $0x4000, s31;
	s1 =	sadd.s32 s1, s30  }
0xbb: {  	s0 =	sor.u32 s3, s0;
	s1 =	sshll.u32 s1, $0x11  }
0xbc: {  	s0 =	sor.u32 s1, s0  }
0xbd: {  	s0 =	sadd.s32 $0x8F2B, s0  }
0xbe: {  	[sflag:s0] =	ssyncadd.remote.s32 $0x1  }
0xbf: {  	_ =	sfence.sel $0xFFFF  }
0xc0: {  	[dreg:$0x0] =	wrdreg $0xFFFFFFFF;
	(pc) =	sbr.abs _section_cstart, $3  }
0xc1: {  	[dreg:$0x1] =	wrdreg $0xFFFFFFFF  }
0xc2: {  	_ =	task.clear_ibuf [dreg:s7], $0x2FFFF;
	_ =	strace $0x9FFFFFFF  }
0xc3: {  	(tm) =	ssettm $0x7FFFFFFF  }
tec
execute0_lowered:
.L_overlay_start_1:
0x0: {  	(tag) =	ssettag $0x1  }
0x1: {  	s1 =	srdreg.scid;
	s7 =	rddreg [dreg:$0x0]  }
0x2: {  	s0 =	stileid.u32;
	s6 =	rddreg [dreg:$0x1]  }
0x3: {  	s2 =	rddreg [dreg:$0x2];
	s3 =	simm.s32 $0x0;
	s15 =	simm.s32 $0x1B1C0  }
0x4: {  	s16 =	simm.s32 $0x163A0;
	s17 =	simm.s32 $0x1C3C0;
	s18 =	simm.s32 $0x163C0  }
0x5: {  	s19 =	simm.s32 $0x1D5C0;
	s20 =	simm.s32 $0x0;
	s5 =	sand.u32 $0x1, s1  }
0x6: {  	s30 =	sshll.u32 s0, $0x1;
	s9 =	smul.u32 $0x16380, s0;
	[smem:$0x7FF] =	sst s3  }
0x7: {  	s4 =	sadd.s32 $0xB000, s6;
	s1 =	sor.u32 s5, s30;
	s10 =	smul.u32 $0x163800, s5  }
0x8: {  	s31 =	sshll.u32 s0, $0x6;
	s5 =	ssub.s32 $0x2, s5;
	s8 =	smul.u32 $0x4E4, s1  }
0x9: {  	s1 =	rddreg [dreg:$0x3];
	_ =	strace $0x80000050;
	s12 =	sshrl.u32 s9, $0x3  }
0xa: {  	s13 =	sshrl.u32 s5, $0x1;
	s14 =	sadd.s32 s9, s2;
	s10 =	sadd.s32 s9, s10  }
0xb: {  	s12 =	sadd.s32 s12, s6;
	s13 =	ssub.s32 s5, s13;
	s11 =	sadd.s32 s8, s6  }
0xc: {  	s10 =	sshrl.u32 s10, $0x3;
	s5 =	sadd.s32 $0x37800, s12;
	s7 =	sadd.s32 s7, s8  }
0xd: {  	s12 =	simm.s32 $0x5;
	s10 =	sadd.s32 s10, s6;
	s6 =	sor.u32 $0x1C05, s31  }
0xe: {  	s8 =	sadd.s32 $0x1200, s11;
	s11 =	sshrl.u32 s14, $0x3;
	s14 =	simm.s32 $0x20  }
0xf: {  	s9 =	sadd.s32 $0x64000, s10;
	s10 =	smax.u32 s13, $0x1;
	s13 =	simm.s32 $0x16380  }
.LBB2_1:
0x10: {  	[spmem:s11], [sflag:s6] =	dma.local [hbm:s5], $0x2C70  }
0x11: {  	_ =	swait.ge [sflag:s12], $0x2C70  }
0x12: {  	[sflag:s12] =	ssyncset.done $0x0  }
0x13: {  	[sflag:s12] =	ssyncadd.s32 $0xFFFFD390  }
0x14: {  	[tilespmem:s13], [sflag:$0x5] =	stream.linear.gather [hbm4b:s7+s3], $0x2720, $0x38;
	[tilespmem:$0x1F9C0] =	vst v63  }
0x15: {  	_ =	swait.ge [sflag:s12], $0x2720  }
0x16: {  	[sflag:s12] =	ssyncset.done $0x0  }
0x17: {  	s21 =	simm.s32 $0x18AA0;
	[sflag:s12] =	ssyncadd.s32 $0xFFFFD8E0  }
0x18: {  	[tilespmem:s21], [sflag:$0x5] =	stream.linear.gather [hbm4b:s8+s3], $0x2720, $0x38;
	[tilespmem:$0x1F9C0] =	vst v63  }
0x19: {  	_ =	swait.ge [sflag:s12], $0x2720  }
0x1a: {  	[sflag:s12] =	ssyncset.done $0x0  }
0x1b: {  	s22 =	simm.s32 $0x3;
	[sflag:s12] =	ssyncadd.s32 $0xFFFFD8E0  }
0x1c: {  	s23 =	simm.s32 $0x0;
	p0 =	por $0x0, $0x0;
	[bflag:$0x0] =	sbarrier.arrive $0xFFFF  }
0x1d: {  	[tilespmem:s15], [sflag:$0x1] =	stream.indirect.gather [hbm4b:s4+s14], $0x90, s13, s14, $0xb8;
	[tilespmem:$0x1F9C0] =	vst v63  }
0x1e: {  	s23 =	sand.u32 $0x3, s23;
	s22 =	sand.u32 @!p0 $0x3, s22  }
0x1f: {  	[tilespmem:s17], [sflag:$0x2] =	stream.indirect.gather [hbm4b:s4+s14], $0x90, s16, s14, $0xb8;
	[tilespmem:$0x1F9C0] =	vst v63  }
0x20: {  	s24 =	simm.s32 $0x163E0;
	s25 =	sadd.s32 $0x1, s23;
	s26 =	smul.u32 @!p0 $0x4800, s22  }
0x21: {  	[tilespmem:s19], [sflag:$0x3] =	stream.indirect.gather [hbm4b:s4+s14], $0x90, s18, s14, $0xb8;
	[tilespmem:$0x1F9C0] =	vst v63  }
0x22: {  	s28 =	simm.s32 @!p0 $0x20;
	s23 =	smul.u32 $0x4800, s23;
	_ =	swait.ge [sflag:s25], $0x1200  }
0x23: {  	s22 =	sadd.s32 @!p0 $0x1, s22;
	s26 =	sshrl.u32 @!p0 s26, $0x2;
	[sflag:s25] =	ssyncset.done $0x0  }
0x24: {  	s23 =	sshrl.u32 s23, $0x2;
	[sflag:s25] =	ssyncadd.s32 $0xFFFFEE00;
	s25 =	sadd.s32 @!p0 $0x1B1C0, s26  }
0x25: {  	[tilespmem:s25], [sflag:s22] =	stream.indirect.gather @!p0 [hbm4b:s4+s28], $0x90, s24, s28, $0xb8;
	[tilespmem:$0x1F9C0] =	vst v63  }
0x26: {  	s31 =	sadd.s32 $0x1B1C0, s23;
	s23 =	simm.s32 $0x5  }
0x27: {  	[spmem:s2] =	stream.indirect.scatter.add.f32 [tilespmem:s31], [sflag:$0x5], $0x90, s21, s14, $0xb8;
	[tilespmem:$0x1F9C0] =	vst v63  }
0x28: {  	s24 =	simm.s32 $0x4;
	s25 =	simm.s32 $0x1;
	_ =	swait.ge [sflag:s12], $0x1200  }
0x29: {  	s22 =	simm.s32 $0x16400;
	s21 =	simm.s32 $0x18AC0;
	[sflag:s12] =	ssyncset.done $0x0  }
.LBB2_2:
0x2a: {  	p1 =	sgt.u32 s25, $0x135  }
0x2b: {  	[sflag:s12] =	ssyncadd.s32 $0xFFFFEE00;
	s26 =	smov.u32 s23;
	s23 =	sadd.s32 $0x1, s23  }
0x2c: {  	s25 =	sand.u32 $0x3, s25;
	p0 =	sne.s32 s23, $0x13C;
	s24 =	sand.u32 @!p1 $0x3, s24  }
0x2d: {  	s28 =	sadd.s32 $0x1, s25;
	s29 =	smul.u32 @!p1 $0x4800, s24;
	s30 =	sadd.s32 @!p1 $0x1, s24  }
0x2e: {  	s25 =	smul.u32 $0x4800, s25;
	s24 =	smov.u32 s26;
	_ =	swait.ge [sflag:s28], $0x1200  }
0x2f: {  	[sflag:s28] =	ssyncset.done $0x0;
	s26 =	sshrl.u32 @!p1 s29, $0x2;
	s29 =	simm.s32 @!p1 $0x20  }
0x30: {  	s25 =	sshrl.u32 s25, $0x2;
	[sflag:s28] =	ssyncadd.s32 $0xFFFFEE00;
	s26 =	sadd.s32 @!p1 $0x1B1C0, s26  }
0x31: {  	[tilespmem:s26], [sflag:s30] =	stream.indirect.gather @!p1 [hbm4b:s4+s29], $0x90, s22, s29, $0xb8;
	[tilespmem:$0x1F9C0] =	vst v63  }
.Ltmp0:
0x32: {  	_ = 	snop;
	(pc) =	sbr.rel @p0 .LBB2_2-.Ltmp0, $4  }
0x33: {  	s25 =	sadd.s32 $0x1B1C0, s25  }
0x34: {  	[spmem:s2] =	stream.indirect.scatter.add.f32 [tilespmem:s25], [sflag:$0x5], $0x90, s21, s14, $0xb8;
	[tilespmem:$0x1F9C0] =	vst v63  }
0x35: {  	s21 =	sadd.s32 $0x20, s21;
	_ =	swait.ge [sflag:s12], $0x1200  }
0x36: {  	s22 =	sadd.s32 $0x20, s22;
	s25 =	sadd.s32 $0xFFFFFFFD, s24;
	[sflag:s12] =	ssyncset.done $0x0  }
0x37: {  	p0 =	sgt.u32 s25, $0x135  }
0x38: {  	s23 =	sand.u32 $0x3, s25;
	s24 =	sand.u32 @!p0 $0x3, s24  }
0x39: {  	[sflag:s12] =	ssyncadd.s32 $0xFFFFEE00;
	s25 =	sadd.s32 $0x1, s23;
	s26 =	smul.u32 @!p0 $0x4800, s24  }
0x3a: {  	s23 =	smul.u32 $0x4800, s23;
	s28 =	simm.s32 @!p0 $0x20;
	_ =	swait.ge [sflag:s25], $0x1200  }
0x3b: {  	s24 =	sadd.s32 @!p0 $0x1, s24;
	[sflag:s25] =	ssyncset.done $0x0;
	s26 =	sshrl.u32 @!p0 s26, $0x2  }
0x3c: {  	s23 =	sshrl.u32 s23, $0x2;
	[sflag:s25] =	ssyncadd.s32 $0xFFFFEE00;
	s25 =	sadd.s32 @!p0 $0x1B1C0, s26  }
0x3d: {  	[tilespmem:s25], [sflag:s24] =	stream.indirect.gather @!p0 [hbm4b:s4+s28], $0x90, s22, s28, $0xb8;
	[tilespmem:$0x1F9C0] =	vst v63  }
0x3e: {  	s31 =	sadd.s32 $0x1B1C0, s23  }
0x3f: {  	[spmem:s2] =	stream.indirect.scatter.add.f32 [tilespmem:s31], [sflag:$0x5], $0x90, s21, s14, $0xb8;
	[tilespmem:$0x1F9C0] =	vst v63  }
0x40: {  	_ =	swait.ge [sflag:s12], $0x1200  }
0x41: {  	s20 =	sadd.s32 $0x1, s20;
	[sflag:s12] =	ssyncset.done $0x0  }
0x42: {  	p0 =	sne.s32 s20, s10;
	[sflag:s12] =	ssyncadd.s32 $0xFFFFEE00  }
.Ltmp1:
0x43: {  	[bflag:$0x0] =	sbarrier.arrive $0xFFFF;
	(pc) =	sbr.rel @p0 .LBB2_1-.Ltmp1, $4  }
0x44: {  	[hbm:s9], [sflag:s6] =	dma.local [spmem:s11], $0x2C70  }
0x45: {  	_ =	swait.ge [sflag:s12], $0x2C70  }
0x46: {  	[sflag:s12] =	ssyncset.done $0x0  }
0x47: {  	[sflag:s12] =	ssyncadd.s32 $0xFFFFD390  }
0x48: {  	_ =	sfence.sel $0x180000  }
0x49: {  	[bflag:$0x0] =	sbarrier.arrive $0xFFFF  }
0x4a: {  	p0 =	sne.s32 s0, $0x0;
	_ =	strace $0x90000050  }
0x4b: {  	s0 =	sadd.s32 @!p0 $0x100000, s1;
	[bflag:$0x2] =	sbarrier.arrive $0xFFFF  }
0x4c: {  	[sflag:s0] =	ssyncadd.tile.s32 @!p0 $0x1;
	_ =	shalt  }
.Lfunc_end2:
_tile_overlayer_lowered:
.L_overlay_start_2:
0x4d: {  	(tag) =	ssettag $0x2  }
0x4e: {  	s0 =	rddreg [dreg:$0x0];
	s2 =	stileid.u32  }
0x4f: {  	s1 =	rddreg [dreg:$0x1];
	p0 =	sne.s32 s2, $0x0  }
0x50: {  	s3 =	rddreg [dreg:$0x2];
	[bflag:$0x3] =	sbarrier.arrive $0xFFFF;
	s2 =	simm.s32 @!p0 $0x1C05  }
0x51: {  	[timem:s3], [sflag:s2] =	dma.local @!p0 [hbm:s0], s1  }
0x52: {  	s0 =	simm.s32 @!p0 $0x5  }
0x53: {  	_ =	swait.ge @!p0 [sflag:s0], s1  }
0x54: {  	s1 =	ssub.s32 @!p0 $0x0, s1;
	[sflag:s0] =	ssyncset.done @!p0 $0x0  }
0x55: {  	[sflag:s0] =	ssyncadd.s32 @!p0 s1  }
0x56: {  	[bflag:$0x3] =	sbarrier.arrive $0xFFFF  }
0x57: {  	_ =	shalt  }

</sc_bundles>
